<compile_context>
chip_gen: v7x
topology: tpu7x:2x2x1
jax: 0.10.2.dev20260603
libtpu: 0.0.44.dev20260713+nightly
codegen_flags: <defaults>
</compile_context>

<pallas_src>
import functools

import jax
import jax.numpy as jnp
import numpy as np
from jax import lax
from jax.experimental import pallas as pl
from jax.experimental.pallas import tpu as pltpu
from jax.experimental.pallas import tpu_sc as plsc

T = 131072
NROWS = 32
LAST = NROWS - 1
NW = 32
RPW = 32
LANE = 128

def _threefry2x32_np(k1, k2, x0, x1):
    k1 = np.uint32(k1); k2 = np.uint32(k2)
    x0 = x0.astype(np.uint32).copy(); x1 = x1.astype(np.uint32).copy()
    ks = [k1, k2, np.uint32(k1 ^ k2 ^ np.uint32(0x1BD11BDA))]
    rot = [np.uint32([13, 15, 26, 6]), np.uint32([17, 29, 16, 24])]

    def rounds(a, b, rs):
        for r in rs:
            a = (a + b).astype(np.uint32)
            b = ((b << r) | (b >> np.uint32(32 - r))).astype(np.uint32)
            b = a ^ b
        return a, b

    x0 = (x0 + ks[0]).astype(np.uint32)
    x1 = (x1 + ks[1]).astype(np.uint32)
    for g, (a, b, c) in enumerate(
            [(1, 2, 1), (2, 0, 2), (0, 1, 3), (1, 2, 4), (2, 0, 5)]):
        x0, x1 = rounds(x0, x1, rot[g % 2])
        x0 = (x0 + ks[a]).astype(np.uint32)
        x1 = (x1 + ks[b] + np.uint32(c)).astype(np.uint32)
    return x0, x1


def _perm_np(seed, n):
    key = (np.uint32(0), np.uint32(seed))
    x = np.arange(n)
    num_rounds = int(np.ceil(3 * np.log(max(1, n)) / np.log(2**32 - 1)))
    for _ in range(num_rounds):
        b1, b2 = _threefry2x32_np(
            key[0], key[1], np.zeros(2, np.uint32),
            np.arange(2, dtype=np.uint32))
        key, sub = (b1[0], b2[0]), (b1[1], b2[1])
        h1, h2 = _threefry2x32_np(
            sub[0], sub[1], np.zeros(n, np.uint32),
            np.arange(n, dtype=np.uint32))
        x = x[np.argsort(h1 ^ h2, kind="stable")]
    return x


_PERM = _perm_np(42, T)
_IDX2_NP = _PERM.astype(np.int32).reshape(T // LANE, LANE)


def _noise_body(n_ref, c_ref, o_ref):
    o_ref[...] = n_ref[...] - c_ref[...]


def _noise_row(noisy_row2, clean_row2):
    return pl.pallas_call(
        _noise_body,
        out_shape=jax.ShapeDtypeStruct((T // LANE, LANE), jnp.float32),
    )(noisy_row2, clean_row2)


def _sc_body(noise1, clean2, idx2, out2, idx_v, buf, gn, sem):
    c = lax.axis_index("c")
    s = lax.axis_index("s")
    wid = s * 2 + c
    r0 = wid * RPW
    pltpu.sync_copy(idx2.at[pl.ds(r0, RPW)], idx_v)
    pltpu.sync_copy(clean2.at[pl.ds(r0, RPW)], buf)
    group = 8
    for g in range(RPW // group):
        descs = [
            pltpu.async_copy(
                noise1.at[idx_v.at[g * group + j]],
                gn.at[g * group + j], sem)
            for j in range(group)
        ]
        for d in descs:
            d.wait()

    def comp(j, carry):
        def inner(k, c2):
            sl = pl.ds(k * 16, 16)
            buf[j, sl] = buf[j, sl] + gn[j, sl]
            return c2
        return lax.fori_loop(0, LANE // 16, inner, carry)
    lax.fori_loop(0, RPW, comp, 0)
    pltpu.sync_copy(buf, out2.at[pl.ds(r0, RPW)])


@functools.cache
def _sc_gather():
    return pl.kernel(
        _sc_body,
        out_type=jax.ShapeDtypeStruct((T // LANE, LANE), jnp.float32),
        mesh=plsc.VectorSubcoreMesh(
            core_axis_name="c", subcore_axis_name="s", num_cores=2,
            num_subcores=16),
        scratch_types=[
            pltpu.VMEM((RPW, LANE), jnp.int32),
            pltpu.VMEM((RPW, LANE), jnp.float32),
            pltpu.VMEM((RPW, LANE), jnp.float32),
            pltpu.SemaphoreType.DMA,
        ],
    )


def _assemble_body(noisy_ref, row_ref, out_ref):
    i = pl.program_id(0)
    rows = i * 8 + lax.broadcasted_iota(jnp.int32, (8, T), 0)
    out_ref[...] = jnp.where(rows == LAST, row_ref[...], noisy_ref[...])


def _assemble(noisy2, new_row2):
    return pl.pallas_call(
        _assemble_body,
        grid=(NROWS // 8,),
        in_specs=[
            pl.BlockSpec((8, T), lambda i: (i, 0)),
            pl.BlockSpec((1, T), lambda i: (0, 0)),
        ],
        out_specs=pl.BlockSpec((8, T), lambda i: (i, 0)),
        out_shape=jax.ShapeDtypeStruct((NROWS, T), jnp.float32),
    )(noisy2, new_row2)


def kernel(noisy_track, clean_track):
    idx2 = jnp.asarray(_IDX2_NP)
    noisy_row2 = noisy_track[-1, -1, :].reshape(T // LANE, LANE)
    clean_row2 = clean_track[-1, -1, :].reshape(T // LANE, LANE)
    noise2 = _noise_row(noisy_row2, clean_row2)
    new_row2 = _sc_gather()(noise2.reshape(T), clean_row2, idx2)
    out2 = _assemble(noisy_track.reshape(NROWS, T), new_row2.reshape(1, T))
    return out2.reshape(16, 2, T), clean_track

# --- scband reference (transcript-rebuilt; emitter-appended) ---
"""Pipeline reference for scband-remix-58282706207055 (READ-ONLY COPY).

The authoritative reference and input builder live on the scoring server;
editing this copy changes nothing except your own understanding.
"""

import jax, jax.numpy as jnp
import numpy as np

def setup_inputs(seed: int = 0) -> dict:
    key = jax.random.key(seed)
    k1, k2 = jax.random.split(key)
    noisy_track = jax.random.normal(k1, (16, 2, 131072), dtype=jnp.float32)
    clean_track = jax.random.normal(k2, (16, 2, 131072), dtype=jnp.float32)
    return {"noisy_track": noisy_track, "clean_track": clean_track}

def reference(noisy_track, clean_track):
    # noise = noisy - clean
    noise = noisy_track - clean_track
    T = noise.shape[-1]
    # torch.randperm equivalent (fixed key for determinism)
    perm = jax.random.permutation(jax.random.key(42), T)
    # noisy_track[-1][-1][:] = clean_track[-1][-1][:] + noise[-1][-1][perm]
    new_row = clean_track[-1, -1, :] + noise[-1, -1, perm]
    noisy_out = noisy_track.at[-1, -1, :].set(new_row)
    return (noisy_out, clean_track)

if __name__ == "__main__":
    import jax
    _d = setup_inputs()
    print(jax.jit(kernel)(*tuple(_d.values())))

</pallas_src>

<mosaic_0001>
#map = affine_map<(d0, d1) -> (0)>
#map1 = affine_map<(d0, d1) -> (0, 0)>
module attributes {stable_mosaic.version = 14 : i64} {
  func.func @_sc_body(%arg0: i32, %arg1: i32, %arg2: memref<131072xf32, #tpu.memory_space<hbm>>, %arg3: memref<1024x128xf32, #tpu.memory_space<hbm>>, %arg4: memref<1024x128xi32, #tpu.memory_space<hbm>>, %arg5: memref<1024x128xf32, #tpu.memory_space<hbm>>, %arg6: memref<32x128xi32, #tpu.memory_space<vmem>>, %arg7: memref<32x128xf32, #tpu.memory_space<vmem>>, %arg8: memref<32x128xf32, #tpu.memory_space<vmem>>, %arg9: memref<!tpu.dma_semaphore, #tpu.memory_space<semaphore_mem>>) attributes {dimension_semantics = [#tpu.dimension_semantics<core_parallel>, #tpu.dimension_semantics<subcore_parallel>], iteration_bounds = array<i64: 2, 16>, scalar_prefetch = 0 : i64, scratch_operands = 4 : i64, tpu.core_type = #tpu.core_type<sc_vector_subcore>, window_params = [{transform_indices = #map}, {transform_indices = #map1}, {transform_indices = #map1}, {transform_indices = #map1}]} {
    %mul3A = arith.constant 2 : i32
    %mul3A_0 = arith.muli %arg1, %mul3A : i32
    %add3A = arith.addi %mul3A_0, %arg0 : i32
    %mul3A_1 = arith.constant 32 : i32
    %mul3A_2 = arith.muli %add3A, %mul3A_1 : i32
    "tpu.region"() ({
      %run_scoped3A = tpu.sem_alloc : memref<!tpu.dma_semaphore, #tpu.memory_space<semaphore_mem>>
      %dma_start3A_646 = arith.constant 0 : i32
      %dma_start3A_647 = tpu.memref_slice %arg4[%mul3A_2, %dma_start3A_646] : memref<1024x128xi32, #tpu.memory_space<hbm>> -> memref<32x128xi32, #tpu.memory_space<hbm>>
      %dma_start3A_648 = arith.constant 0 : i32
      %dma_start3A_649 = tpu.memref_slice %arg4[%mul3A_2, %dma_start3A_648] : memref<1024x128xi32, #tpu.memory_space<hbm>> -> memref<32x128xi32, #tpu.memory_space<hbm>>
      tpu.enqueue_dma source(%dma_start3A_649 : memref<32x128xi32, #tpu.memory_space<hbm>>) target(%arg6 : memref<32x128xi32, #tpu.memory_space<vmem>>) target_semaphore(%run_scoped3A : memref<!tpu.dma_semaphore, #tpu.memory_space<semaphore_mem>>)
      %dma_wait3A_650 = arith.constant 0 : i32
      %dma_wait3A_651 = tpu.memref_slice %arg4[%mul3A_2, %dma_wait3A_650] : memref<1024x128xi32, #tpu.memory_space<hbm>> -> memref<32x128xi32, #tpu.memory_space<hbm>>
      %dma_wait3A_652 = arith.constant 0 : i32
      %dma_wait3A_653 = tpu.memref_slice %arg4[%mul3A_2, %dma_wait3A_652] : memref<1024x128xi32, #tpu.memory_space<hbm>> -> memref<32x128xi32, #tpu.memory_space<hbm>>
      tpu.wait_dma2 semaphore(%run_scoped3A : memref<!tpu.dma_semaphore, #tpu.memory_space<semaphore_mem>>) src(%dma_wait3A_653 : memref<32x128xi32, #tpu.memory_space<hbm>>) dst(%arg6 : memref<32x128xi32, #tpu.memory_space<vmem>>)
      tpu.yield
    }) : () -> ()
    "tpu.region"() ({
      %run_scoped3A = tpu.sem_alloc : memref<!tpu.dma_semaphore, #tpu.memory_space<semaphore_mem>>
      %dma_start3A_646 = arith.constant 0 : i32
      %dma_start3A_647 = tpu.memref_slice %arg3[%mul3A_2, %dma_start3A_646] : memref<1024x128xf32, #tpu.memory_space<hbm>> -> memref<32x128xf32, #tpu.memory_space<hbm>>
      %dma_start3A_648 = arith.constant 0 : i32
      %dma_start3A_649 = tpu.memref_slice %arg3[%mul3A_2, %dma_start3A_648] : memref<1024x128xf32, #tpu.memory_space<hbm>> -> memref<32x128xf32, #tpu.memory_space<hbm>>
      tpu.enqueue_dma source(%dma_start3A_649 : memref<32x128xf32, #tpu.memory_space<hbm>>) target(%arg7 : memref<32x128xf32, #tpu.memory_space<vmem>>) target_semaphore(%run_scoped3A : memref<!tpu.dma_semaphore, #tpu.memory_space<semaphore_mem>>)
      %dma_wait3A_650 = arith.constant 0 : i32
      %dma_wait3A_651 = tpu.memref_slice %arg3[%mul3A_2, %dma_wait3A_650] : memref<1024x128xf32, #tpu.memory_space<hbm>> -> memref<32x128xf32, #tpu.memory_space<hbm>>
      %dma_wait3A_652 = arith.constant 0 : i32
      %dma_wait3A_653 = tpu.memref_slice %arg3[%mul3A_2, %dma_wait3A_652] : memref<1024x128xf32, #tpu.memory_space<hbm>> -> memref<32x128xf32, #tpu.memory_space<hbm>>
      tpu.wait_dma2 semaphore(%run_scoped3A : memref<!tpu.dma_semaphore, #tpu.memory_space<semaphore_mem>>) src(%dma_wait3A_653 : memref<32x128xf32, #tpu.memory_space<hbm>>) dst(%arg7 : memref<32x128xf32, #tpu.memory_space<vmem>>)
      tpu.yield
    }) : () -> ()
    %dma_start3A = arith.constant 0 : i32
    %dma_start3A_3 = arith.constant 0 : i32
    %dma_start3A_4 = arith.constant 0 : i32
    %dma_start3A_5 = tpu.memref_slice %arg8[%dma_start3A_3, %dma_start3A_4] : memref<32x128xf32, #tpu.memory_space<vmem>> -> memref<1x128xf32, #tpu.memory_space<vmem>>
    %dma_start3A_6 = tpu.memref_squeeze %dma_start3A_5 : memref<1x128xf32, #tpu.memory_space<vmem>> -> memref<128xf32, #tpu.memory_space<vmem>>
    %dma_start3A_7 = arith.constant 0 : i32
    %dma_start3A_8 = tpu.memref_slice %arg6[%dma_start3A, %dma_start3A_7] : memref<32x128xi32, #tpu.memory_space<vmem>> -> memref<1x128xi32, #tpu.memory_space<vmem>>
    %dma_start3A_9 = tpu.memref_squeeze %dma_start3A_8 : memref<1x128xi32, #tpu.memory_space<vmem>> -> memref<128xi32, #tpu.memory_space<vmem>>
    %dma_start3A_10 = arith.constant 0 : i32
    %dma_start3A_11 = tpu.memref_slice %arg2[%dma_start3A_10] : memref<131072xf32, #tpu.memory_space<hbm>> -> memref<131072xf32, #tpu.memory_space<hbm>>
    tpu.enqueue_indirect_dma source(%dma_start3A_11 : memref<131072xf32, #tpu.memory_space<hbm>>) target(%dma_start3A_6 : memref<128xf32, #tpu.memory_space<vmem>>) offsets(%dma_start3A_9 : memref<128xi32, #tpu.memory_space<vmem>>) semaphore(%arg9 : memref<!tpu.dma_semaphore, #tpu.memory_space<semaphore_mem>>)
    %dma_start3A_12 = arith.constant 1 : i32
    %dma_start3A_13 = arith.constant 1 : i32
    %dma_start3A_14 = arith.constant 0 : i32
    %dma_start3A_15 = tpu.memref_slice %arg8[%dma_start3A_13, %dma_start3A_14] : memref<32x128xf32, #tpu.memory_space<vmem>> -> memref<1x128xf32, #tpu.memory_space<vmem>>
    %dma_start3A_16 = tpu.memref_squeeze %dma_start3A_15 : memref<1x128xf32, #tpu.memory_space<vmem>> -> memref<128xf32, #tpu.memory_space<vmem>>
    %dma_start3A_17 = arith.constant 0 : i32
    %dma_start3A_18 = tpu.memref_slice %arg6[%dma_start3A_12, %dma_start3A_17] : memref<32x128xi32, #tpu.memory_space<vmem>> -> memref<1x128xi32, #tpu.memory_space<vmem>>
    %dma_start3A_19 = tpu.memref_squeeze %dma_start3A_18 : memref<1x128xi32, #tpu.memory_space<vmem>> -> memref<128xi32, #tpu.memory_space<vmem>>
    %dma_start3A_20 = arith.constant 0 : i32
    %dma_start3A_21 = tpu.memref_slice %arg2[%dma_start3A_20] : memref<131072xf32, #tpu.memory_space<hbm>> -> memref<131072xf32, #tpu.memory_space<hbm>>
    tpu.enqueue_indirect_dma source(%dma_start3A_21 : memref<131072xf32, #tpu.memory_space<hbm>>) target(%dma_start3A_16 : memref<128xf32, #tpu.memory_space<vmem>>) offsets(%dma_start3A_19 : memref<128xi32, #tpu.memory_space<vmem>>) semaphore(%arg9 : memref<!tpu.dma_semaphore, #tpu.memory_space<semaphore_mem>>)
    %dma_start3A_22 = arith.constant 2 : i32
    %dma_start3A_23 = arith.constant 2 : i32
    %dma_start3A_24 = arith.constant 0 : i32
    %dma_start3A_25 = tpu.memref_slice %arg8[%dma_start3A_23, %dma_start3A_24] : memref<32x128xf32, #tpu.memory_space<vmem>> -> memref<1x128xf32, #tpu.memory_space<vmem>>
    %dma_start3A_26 = tpu.memref_squeeze %dma_start3A_25 : memref<1x128xf32, #tpu.memory_space<vmem>> -> memref<128xf32, #tpu.memory_space<vmem>>
    %dma_start3A_27 = arith.constant 0 : i32
    %dma_start3A_28 = tpu.memref_slice %arg6[%dma_start3A_22, %dma_start3A_27] : memref<32x128xi32, #tpu.memory_space<vmem>> -> memref<1x128xi32, #tpu.memory_space<vmem>>
    %dma_start3A_29 = tpu.memref_squeeze %dma_start3A_28 : memref<1x128xi32, #tpu.memory_space<vmem>> -> memref<128xi32, #tpu.memory_space<vmem>>
    %dma_start3A_30 = arith.constant 0 : i32
    %dma_start3A_31 = tpu.memref_slice %arg2[%dma_start3A_30] : memref<131072xf32, #tpu.memory_space<hbm>> -> memref<131072xf32, #tpu.memory_space<hbm>>
    tpu.enqueue_indirect_dma source(%dma_start3A_31 : memref<131072xf32, #tpu.memory_space<hbm>>) target(%dma_start3A_26 : memref<128xf32, #tpu.memory_space<vmem>>) offsets(%dma_start3A_29 : memref<128xi32, #tpu.memory_space<vmem>>) semaphore(%arg9 : memref<!tpu.dma_semaphore, #tpu.memory_space<semaphore_mem>>)
    %dma_start3A_32 = arith.constant 3 : i32
    %dma_start3A_33 = arith.constant 3 : i32
    %dma_start3A_34 = arith.constant 0 : i32
    %dma_start3A_35 = tpu.memref_slice %arg8[%dma_start3A_33, %dma_start3A_34] : memref<32x128xf32, #tpu.memory_space<vmem>> -> memref<1x128xf32, #tpu.memory_space<vmem>>
    %dma_start3A_36 = tpu.memref_squeeze %dma_start3A_35 : memref<1x128xf32, #tpu.memory_space<vmem>> -> memref<128xf32, #tpu.memory_space<vmem>>
    %dma_start3A_37 = arith.constant 0 : i32
    %dma_start3A_38 = tpu.memref_slice %arg6[%dma_start3A_32, %dma_start3A_37] : memref<32x128xi32, #tpu.memory_space<vmem>> -> memref<1x128xi32, #tpu.memory_space<vmem>>
    %dma_start3A_39 = tpu.memref_squeeze %dma_start3A_38 : memref<1x128xi32, #tpu.memory_space<vmem>> -> memref<128xi32, #tpu.memory_space<vmem>>
    %dma_start3A_40 = arith.constant 0 : i32
    %dma_start3A_41 = tpu.memref_slice %arg2[%dma_start3A_40] : memref<131072xf32, #tpu.memory_space<hbm>> -> memref<131072xf32, #tpu.memory_space<hbm>>
    tpu.enqueue_indirect_dma source(%dma_start3A_41 : memref<131072xf32, #tpu.memory_space<hbm>>) target(%dma_start3A_36 : memref<128xf32, #tpu.memory_space<vmem>>) offsets(%dma_start3A_39 : memref<128xi32, #tpu.memory_space<vmem>>) semaphore(%arg9 : memref<!tpu.dma_semaphore, #tpu.memory_space<semaphore_mem>>)
    %dma_start3A_42 = arith.constant 4 : i32
    %dma_start3A_43 = arith.constant 4 : i32
    %dma_start3A_44 = arith.constant 0 : i32
    %dma_start3A_45 = tpu.memref_slice %arg8[%dma_start3A_43, %dma_start3A_44] : memref<32x128xf32, #tpu.memory_space<vmem>> -> memref<1x128xf32, #tpu.memory_space<vmem>>
    %dma_start3A_46 = tpu.memref_squeeze %dma_start3A_45 : memref<1x128xf32, #tpu.memory_space<vmem>> -> memref<128xf32, #tpu.memory_space<vmem>>
    %dma_start3A_47 = arith.constant 0 : i32
    %dma_start3A_48 = tpu.memref_slice %arg6[%dma_start3A_42, %dma_start3A_47] : memref<32x128xi32, #tpu.memory_space<vmem>> -> memref<1x128xi32, #tpu.memory_space<vmem>>
    %dma_start3A_49 = tpu.memref_squeeze %dma_start3A_48 : memref<1x128xi32, #tpu.memory_space<vmem>> -> memref<128xi32, #tpu.memory_space<vmem>>
    %dma_start3A_50 = arith.constant 0 : i32
    %dma_start3A_51 = tpu.memref_slice %arg2[%dma_start3A_50] : memref<131072xf32, #tpu.memory_space<hbm>> -> memref<131072xf32, #tpu.memory_space<hbm>>
    tpu.enqueue_indirect_dma source(%dma_start3A_51 : memref<131072xf32, #tpu.memory_space<hbm>>) target(%dma_start3A_46 : memref<128xf32, #tpu.memory_space<vmem>>) offsets(%dma_start3A_49 : memref<128xi32, #tpu.memory_space<vmem>>) semaphore(%arg9 : memref<!tpu.dma_semaphore, #tpu.memory_space<semaphore_mem>>)
    %dma_start3A_52 = arith.constant 5 : i32
    %dma_start3A_53 = arith.constant 5 : i32
    %dma_start3A_54 = arith.constant 0 : i32
    %dma_start3A_55 = tpu.memref_slice %arg8[%dma_start3A_53, %dma_start3A_54] : memref<32x128xf32, #tpu.memory_space<vmem>> -> memref<1x128xf32, #tpu.memory_space<vmem>>
    %dma_start3A_56 = tpu.memref_squeeze %dma_start3A_55 : memref<1x128xf32, #tpu.memory_space<vmem>> -> memref<128xf32, #tpu.memory_space<vmem>>
    %dma_start3A_57 = arith.constant 0 : i32
    %dma_start3A_58 = tpu.memref_slice %arg6[%dma_start3A_52, %dma_start3A_57] : memref<32x128xi32, #tpu.memory_space<vmem>> -> memref<1x128xi32, #tpu.memory_space<vmem>>
    %dma_start3A_59 = tpu.memref_squeeze %dma_start3A_58 : memref<1x128xi32, #tpu.memory_space<vmem>> -> memref<128xi32, #tpu.memory_space<vmem>>
    %dma_start3A_60 = arith.constant 0 : i32
    %dma_start3A_61 = tpu.memref_slice %arg2[%dma_start3A_60] : memref<131072xf32, #tpu.memory_space<hbm>> -> memref<131072xf32, #tpu.memory_space<hbm>>
    tpu.enqueue_indirect_dma source(%dma_start3A_61 : memref<131072xf32, #tpu.memory_space<hbm>>) target(%dma_start3A_56 : memref<128xf32, #tpu.memory_space<vmem>>) offsets(%dma_start3A_59 : memref<128xi32, #tpu.memory_space<vmem>>) semaphore(%arg9 : memref<!tpu.dma_semaphore, #tpu.memory_space<semaphore_mem>>)
    %dma_start3A_62 = arith.constant 6 : i32
    %dma_start3A_63 = arith.constant 6 : i32
    %dma_start3A_64 = arith.constant 0 : i32
    %dma_start3A_65 = tpu.memref_slice %arg8[%dma_start3A_63, %dma_start3A_64] : memref<32x128xf32, #tpu.memory_space<vmem>> -> memref<1x128xf32, #tpu.memory_space<vmem>>
    %dma_start3A_66 = tpu.memref_squeeze %dma_start3A_65 : memref<1x128xf32, #tpu.memory_space<vmem>> -> memref<128xf32, #tpu.memory_space<vmem>>
    %dma_start3A_67 = arith.constant 0 : i32
    %dma_start3A_68 = tpu.memref_slice %arg6[%dma_start3A_62, %dma_start3A_67] : memref<32x128xi32, #tpu.memory_space<vmem>> -> memref<1x128xi32, #tpu.memory_space<vmem>>
    %dma_start3A_69 = tpu.memref_squeeze %dma_start3A_68 : memref<1x128xi32, #tpu.memory_space<vmem>> -> memref<128xi32, #tpu.memory_space<vmem>>
    %dma_start3A_70 = arith.constant 0 : i32
    %dma_start3A_71 = tpu.memref_slice %arg2[%dma_start3A_70] : memref<131072xf32, #tpu.memory_space<hbm>> -> memref<131072xf32, #tpu.memory_space<hbm>>
    tpu.enqueue_indirect_dma source(%dma_start3A_71 : memref<131072xf32, #tpu.memory_space<hbm>>) target(%dma_start3A_66 : memref<128xf32, #tpu.memory_space<vmem>>) offsets(%dma_start3A_69 : memref<128xi32, #tpu.memory_space<vmem>>) semaphore(%arg9 : memref<!tpu.dma_semaphore, #tpu.memory_space<semaphore_mem>>)
    %dma_start3A_72 = arith.constant 7 : i32
    %dma_start3A_73 = arith.constant 7 : i32
    %dma_start3A_74 = arith.constant 0 : i32
    %dma_start3A_75 = tpu.memref_slice %arg8[%dma_start3A_73, %dma_start3A_74] : memref<32x128xf32, #tpu.memory_space<vmem>> -> memref<1x128xf32, #tpu.memory_space<vmem>>
    %dma_start3A_76 = tpu.memref_squeeze %dma_start3A_75 : memref<1x128xf32, #tpu.memory_space<vmem>> -> memref<128xf32, #tpu.memory_space<vmem>>
    %dma_start3A_77 = arith.constant 0 : i32
    %dma_start3A_78 = tpu.memref_slice %arg6[%dma_start3A_72, %dma_start3A_77] : memref<32x128xi32, #tpu.memory_space<vmem>> -> memref<1x128xi32, #tpu.memory_space<vmem>>
    %dma_start3A_79 = tpu.memref_squeeze %dma_start3A_78 : memref<1x128xi32, #tpu.memory_space<vmem>> -> memref<128xi32, #tpu.memory_space<vmem>>
    %dma_start3A_80 = arith.constant 0 : i32
    %dma_start3A_81 = tpu.memref_slice %arg2[%dma_start3A_80] : memref<131072xf32, #tpu.memory_space<hbm>> -> memref<131072xf32, #tpu.memory_space<hbm>>
    tpu.enqueue_indirect_dma source(%dma_start3A_81 : memref<131072xf32, #tpu.memory_space<hbm>>) target(%dma_start3A_76 : memref<128xf32, #tpu.memory_space<vmem>>) offsets(%dma_start3A_79 : memref<128xi32, #tpu.memory_space<vmem>>) semaphore(%arg9 : memref<!tpu.dma_semaphore, #tpu.memory_space<semaphore_mem>>)
    %dma_wait3A = arith.constant 0 : i32
    %dma_wait3A_82 = arith.constant 0 : i32
    %dma_wait3A_83 = arith.constant 0 : i32
    %dma_wait3A_84 = tpu.memref_slice %arg8[%dma_wait3A_82, %dma_wait3A_83] : memref<32x128xf32, #tpu.memory_space<vmem>> -> memref<1x128xf32, #tpu.memory_space<vmem>>
    %dma_wait3A_85 = tpu.memref_squeeze %dma_wait3A_84 : memref<1x128xf32, #tpu.memory_space<vmem>> -> memref<128xf32, #tpu.memory_space<vmem>>
    %dma_wait3A_86 = arith.constant 0 : i32
    %dma_wait3A_87 = tpu.memref_slice %arg6[%dma_wait3A, %dma_wait3A_86] : memref<32x128xi32, #tpu.memory_space<vmem>> -> memref<1x128xi32, #tpu.memory_space<vmem>>
    %dma_wait3A_88 = tpu.memref_squeeze %dma_wait3A_87 : memref<1x128xi32, #tpu.memory_space<vmem>> -> memref<128xi32, #tpu.memory_space<vmem>>
    %dma_wait3A_89 = arith.constant 0 : i32
    %dma_wait3A_90 = tpu.memref_slice %arg2[%dma_wait3A_89] : memref<131072xf32, #tpu.memory_space<hbm>> -> memref<131072xf32, #tpu.memory_space<hbm>>
    tpu.wait_indirect_dma semaphore(%arg9 : memref<!tpu.dma_semaphore, #tpu.memory_space<semaphore_mem>>) src(%dma_wait3A_90 : memref<131072xf32, #tpu.memory_space<hbm>>) dst(%dma_wait3A_85 : memref<128xf32, #tpu.memory_space<vmem>>)
    %dma_wait3A_91 = arith.constant 1 : i32
    %dma_wait3A_92 = arith.constant 1 : i32
    %dma_wait3A_93 = arith.constant 0 : i32
    %dma_wait3A_94 = tpu.memref_slice %arg8[%dma_wait3A_92, %dma_wait3A_93] : memref<32x128xf32, #tpu.memory_space<vmem>> -> memref<1x128xf32, #tpu.memory_space<vmem>>
    %dma_wait3A_95 = tpu.memref_squeeze %dma_wait3A_94 : memref<1x128xf32, #tpu.memory_space<vmem>> -> memref<128xf32, #tpu.memory_space<vmem>>
    %dma_wait3A_96 = arith.constant 0 : i32
    %dma_wait3A_97 = tpu.memref_slice %arg6[%dma_wait3A_91, %dma_wait3A_96] : memref<32x128xi32, #tpu.memory_space<vmem>> -> memref<1x128xi32, #tpu.memory_space<vmem>>
    %dma_wait3A_98 = tpu.memref_squeeze %dma_wait3A_97 : memref<1x128xi32, #tpu.memory_space<vmem>> -> memref<128xi32, #tpu.memory_space<vmem>>
    %dma_wait3A_99 = arith.constant 0 : i32
    %dma_wait3A_100 = tpu.memref_slice %arg2[%dma_wait3A_99] : memref<131072xf32, #tpu.memory_space<hbm>> -> memref<131072xf32, #tpu.memory_space<hbm>>
    tpu.wait_indirect_dma semaphore(%arg9 : memref<!tpu.dma_semaphore, #tpu.memory_space<semaphore_mem>>) src(%dma_wait3A_100 : memref<131072xf32, #tpu.memory_space<hbm>>) dst(%dma_wait3A_95 : memref<128xf32, #tpu.memory_space<vmem>>)
    %dma_wait3A_101 = arith.constant 2 : i32
    %dma_wait3A_102 = arith.constant 2 : i32
    %dma_wait3A_103 = arith.constant 0 : i32
    %dma_wait3A_104 = tpu.memref_slice %arg8[%dma_wait3A_102, %dma_wait3A_103] : memref<32x128xf32, #tpu.memory_space<vmem>> -> memref<1x128xf32, #tpu.memory_space<vmem>>
    %dma_wait3A_105 = tpu.memref_squeeze %dma_wait3A_104 : memref<1x128xf32, #tpu.memory_space<vmem>> -> memref<128xf32, #tpu.memory_space<vmem>>
    %dma_wait3A_106 = arith.constant 0 : i32
    %dma_wait3A_107 = tpu.memref_slice %arg6[%dma_wait3A_101, %dma_wait3A_106] : memref<32x128xi32, #tpu.memory_space<vmem>> -> memref<1x128xi32, #tpu.memory_space<vmem>>
    %dma_wait3A_108 = tpu.memref_squeeze %dma_wait3A_107 : memref<1x128xi32, #tpu.memory_space<vmem>> -> memref<128xi32, #tpu.memory_space<vmem>>
    %dma_wait3A_109 = arith.constant 0 : i32
    %dma_wait3A_110 = tpu.memref_slice %arg2[%dma_wait3A_109] : memref<131072xf32, #tpu.memory_space<hbm>> -> memref<131072xf32, #tpu.memory_space<hbm>>
    tpu.wait_indirect_dma semaphore(%arg9 : memref<!tpu.dma_semaphore, #tpu.memory_space<semaphore_mem>>) src(%dma_wait3A_110 : memref<131072xf32, #tpu.memory_space<hbm>>) dst(%dma_wait3A_105 : memref<128xf32, #tpu.memory_space<vmem>>)
    %dma_wait3A_111 = arith.constant 3 : i32
    %dma_wait3A_112 = arith.constant 3 : i32
    %dma_wait3A_113 = arith.constant 0 : i32
    %dma_wait3A_114 = tpu.memref_slice %arg8[%dma_wait3A_112, %dma_wait3A_113] : memref<32x128xf32, #tpu.memory_space<vmem>> -> memref<1x128xf32, #tpu.memory_space<vmem>>
    %dma_wait3A_115 = tpu.memref_squeeze %dma_wait3A_114 : memref<1x128xf32, #tpu.memory_space<vmem>> -> memref<128xf32, #tpu.memory_space<vmem>>
    %dma_wait3A_116 = arith.constant 0 : i32
    %dma_wait3A_117 = tpu.memref_slice %arg6[%dma_wait3A_111, %dma_wait3A_116] : memref<32x128xi32, #tpu.memory_space<vmem>> -> memref<1x128xi32, #tpu.memory_space<vmem>>
    %dma_wait3A_118 = tpu.memref_squeeze %dma_wait3A_117 : memref<1x128xi32, #tpu.memory_space<vmem>> -> memref<128xi32, #tpu.memory_space<vmem>>
    %dma_wait3A_119 = arith.constant 0 : i32
    %dma_wait3A_120 = tpu.memref_slice %arg2[%dma_wait3A_119] : memref<131072xf32, #tpu.memory_space<hbm>> -> memref<131072xf32, #tpu.memory_space<hbm>>
    tpu.wait_indirect_dma semaphore(%arg9 : memref<!tpu.dma_semaphore, #tpu.memory_space<semaphore_mem>>) src(%dma_wait3A_120 : memref<131072xf32, #tpu.memory_space<hbm>>) dst(%dma_wait3A_115 : memref<128xf32, #tpu.memory_space<vmem>>)
    %dma_wait3A_121 = arith.constant 4 : i32
    %dma_wait3A_122 = arith.constant 4 : i32
    %dma_wait3A_123 = arith.constant 0 : i32
    %dma_wait3A_124 = tpu.memref_slice %arg8[%dma_wait3A_122, %dma_wait3A_123] : memref<32x128xf32, #tpu.memory_space<vmem>> -> memref<1x128xf32, #tpu.memory_space<vmem>>
    %dma_wait3A_125 = tpu.memref_squeeze %dma_wait3A_124 : memref<1x128xf32, #tpu.memory_space<vmem>> -> memref<128xf32, #tpu.memory_space<vmem>>
    %dma_wait3A_126 = arith.constant 0 : i32
    %dma_wait3A_127 = tpu.memref_slice %arg6[%dma_wait3A_121, %dma_wait3A_126] : memref<32x128xi32, #tpu.memory_space<vmem>> -> memref<1x128xi32, #tpu.memory_space<vmem>>
    %dma_wait3A_128 = tpu.memref_squeeze %dma_wait3A_127 : memref<1x128xi32, #tpu.memory_space<vmem>> -> memref<128xi32, #tpu.memory_space<vmem>>
    %dma_wait3A_129 = arith.constant 0 : i32
    %dma_wait3A_130 = tpu.memref_slice %arg2[%dma_wait3A_129] : memref<131072xf32, #tpu.memory_space<hbm>> -> memref<131072xf32, #tpu.memory_space<hbm>>
    tpu.wait_indirect_dma semaphore(%arg9 : memref<!tpu.dma_semaphore, #tpu.memory_space<semaphore_mem>>) src(%dma_wait3A_130 : memref<131072xf32, #tpu.memory_space<hbm>>) dst(%dma_wait3A_125 : memref<128xf32, #tpu.memory_space<vmem>>)
    %dma_wait3A_131 = arith.constant 5 : i32
    %dma_wait3A_132 = arith.constant 5 : i32
    %dma_wait3A_133 = arith.constant 0 : i32
    %dma_wait3A_134 = tpu.memref_slice %arg8[%dma_wait3A_132, %dma_wait3A_133] : memref<32x128xf32, #tpu.memory_space<vmem>> -> memref<1x128xf32, #tpu.memory_space<vmem>>
    %dma_wait3A_135 = tpu.memref_squeeze %dma_wait3A_134 : memref<1x128xf32, #tpu.memory_space<vmem>> -> memref<128xf32, #tpu.memory_space<vmem>>
    %dma_wait3A_136 = arith.constant 0 : i32
    %dma_wait3A_137 = tpu.memref_slice %arg6[%dma_wait3A_131, %dma_wait3A_136] : memref<32x128xi32, #tpu.memory_space<vmem>> -> memref<1x128xi32, #tpu.memory_space<vmem>>
    %dma_wait3A_138 = tpu.memref_squeeze %dma_wait3A_137 : memref<1x128xi32, #tpu.memory_space<vmem>> -> memref<128xi32, #tpu.memory_space<vmem>>
    %dma_wait3A_139 = arith.constant 0 : i32
    %dma_wait3A_140 = tpu.memref_slice %arg2[%dma_wait3A_139] : memref<131072xf32, #tpu.memory_space<hbm>> -> memref<131072xf32, #tpu.memory_space<hbm>>
    tpu.wait_indirect_dma semaphore(%arg9 : memref<!tpu.dma_semaphore, #tpu.memory_space<semaphore_mem>>) src(%dma_wait3A_140 : memref<131072xf32, #tpu.memory_space<hbm>>) dst(%dma_wait3A_135 : memref<128xf32, #tpu.memory_space<vmem>>)
    %dma_wait3A_141 = arith.constant 6 : i32
    %dma_wait3A_142 = arith.constant 6 : i32
    %dma_wait3A_143 = arith.constant 0 : i32
    %dma_wait3A_144 = tpu.memref_slice %arg8[%dma_wait3A_142, %dma_wait3A_143] : memref<32x128xf32, #tpu.memory_space<vmem>> -> memref<1x128xf32, #tpu.memory_space<vmem>>
    %dma_wait3A_145 = tpu.memref_squeeze %dma_wait3A_144 : memref<1x128xf32, #tpu.memory_space<vmem>> -> memref<128xf32, #tpu.memory_space<vmem>>
    %dma_wait3A_146 = arith.constant 0 : i32
    %dma_wait3A_147 = tpu.memref_slice %arg6[%dma_wait3A_141, %dma_wait3A_146] : memref<32x128xi32, #tpu.memory_space<vmem>> -> memref<1x128xi32, #tpu.memory_space<vmem>>
    %dma_wait3A_148 = tpu.memref_squeeze %dma_wait3A_147 : memref<1x128xi32, #tpu.memory_space<vmem>> -> memref<128xi32, #tpu.memory_space<vmem>>
    %dma_wait3A_149 = arith.constant 0 : i32
    %dma_wait3A_150 = tpu.memref_slice %arg2[%dma_wait3A_149] : memref<131072xf32, #tpu.memory_space<hbm>> -> memref<131072xf32, #tpu.memory_space<hbm>>
    tpu.wait_indirect_dma semaphore(%arg9 : memref<!tpu.dma_semaphore, #tpu.memory_space<semaphore_mem>>) src(%dma_wait3A_150 : memref<131072xf32, #tpu.memory_space<hbm>>) dst(%dma_wait3A_145 : memref<128xf32, #tpu.memory_space<vmem>>)
    %dma_wait3A_151 = arith.constant 7 : i32
    %dma_wait3A_152 = arith.constant 7 : i32
    %dma_wait3A_153 = arith.constant 0 : i32
    %dma_wait3A_154 = tpu.memref_slice %arg8[%dma_wait3A_152, %dma_wait3A_153] : memref<32x128xf32, #tpu.memory_space<vmem>> -> memref<1x128xf32, #tpu.memory_space<vmem>>
    %dma_wait3A_155 = tpu.memref_squeeze %dma_wait3A_154 : memref<1x128xf32, #tpu.memory_space<vmem>> -> memref<128xf32, #tpu.memory_space<vmem>>
    %dma_wait3A_156 = arith.constant 0 : i32
    %dma_wait3A_157 = tpu.memref_slice %arg6[%dma_wait3A_151, %dma_wait3A_156] : memref<32x128xi32, #tpu.memory_space<vmem>> -> memref<1x128xi32, #tpu.memory_space<vmem>>
    %dma_wait3A_158 = tpu.memref_squeeze %dma_wait3A_157 : memref<1x128xi32, #tpu.memory_space<vmem>> -> memref<128xi32, #tpu.memory_space<vmem>>
    %dma_wait3A_159 = arith.constant 0 : i32
    %dma_wait3A_160 = tpu.memref_slice %arg2[%dma_wait3A_159] : memref<131072xf32, #tpu.memory_space<hbm>> -> memref<131072xf32, #tpu.memory_space<hbm>>
    tpu.wait_indirect_dma semaphore(%arg9 : memref<!tpu.dma_semaphore, #tpu.memory_space<semaphore_mem>>) src(%dma_wait3A_160 : memref<131072xf32, #tpu.memory_space<hbm>>) dst(%dma_wait3A_155 : memref<128xf32, #tpu.memory_space<vmem>>)
    %dma_start3A_161 = arith.constant 8 : i32
    %dma_start3A_162 = arith.constant 8 : i32
    %dma_start3A_163 = arith.constant 0 : i32
    %dma_start3A_164 = tpu.memref_slice %arg8[%dma_start3A_162, %dma_start3A_163] : memref<32x128xf32, #tpu.memory_space<vmem>> -> memref<1x128xf32, #tpu.memory_space<vmem>>
    %dma_start3A_165 = tpu.memref_squeeze %dma_start3A_164 : memref<1x128xf32, #tpu.memory_space<vmem>> -> memref<128xf32, #tpu.memory_space<vmem>>
    %dma_start3A_166 = arith.constant 0 : i32
    %dma_start3A_167 = tpu.memref_slice %arg6[%dma_start3A_161, %dma_start3A_166] : memref<32x128xi32, #tpu.memory_space<vmem>> -> memref<1x128xi32, #tpu.memory_space<vmem>>
    %dma_start3A_168 = tpu.memref_squeeze %dma_start3A_167 : memref<1x128xi32, #tpu.memory_space<vmem>> -> memref<128xi32, #tpu.memory_space<vmem>>
    %dma_start3A_169 = arith.constant 0 : i32
    %dma_start3A_170 = tpu.memref_slice %arg2[%dma_start3A_169] : memref<131072xf32, #tpu.memory_space<hbm>> -> memref<131072xf32, #tpu.memory_space<hbm>>
    tpu.enqueue_indirect_dma source(%dma_start3A_170 : memref<131072xf32, #tpu.memory_space<hbm>>) target(%dma_start3A_165 : memref<128xf32, #tpu.memory_space<vmem>>) offsets(%dma_start3A_168 : memref<128xi32, #tpu.memory_space<vmem>>) semaphore(%arg9 : memref<!tpu.dma_semaphore, #tpu.memory_space<semaphore_mem>>)
    %dma_start3A_171 = arith.constant 9 : i32
    %dma_start3A_172 = arith.constant 9 : i32
    %dma_start3A_173 = arith.constant 0 : i32
    %dma_start3A_174 = tpu.memref_slice %arg8[%dma_start3A_172, %dma_start3A_173] : memref<32x128xf32, #tpu.memory_space<vmem>> -> memref<1x128xf32, #tpu.memory_space<vmem>>
    %dma_start3A_175 = tpu.memref_squeeze %dma_start3A_174 : memref<1x128xf32, #tpu.memory_space<vmem>> -> memref<128xf32, #tpu.memory_space<vmem>>
    %dma_start3A_176 = arith.constant 0 : i32
    %dma_start3A_177 = tpu.memref_slice %arg6[%dma_start3A_171, %dma_start3A_176] : memref<32x128xi32, #tpu.memory_space<vmem>> -> memref<1x128xi32, #tpu.memory_space<vmem>>
    %dma_start3A_178 = tpu.memref_squeeze %dma_start3A_177 : memref<1x128xi32, #tpu.memory_space<vmem>> -> memref<128xi32, #tpu.memory_space<vmem>>
    %dma_start3A_179 = arith.constant 0 : i32
    %dma_start3A_180 = tpu.memref_slice %arg2[%dma_start3A_179] : memref<131072xf32, #tpu.memory_space<hbm>> -> memref<131072xf32, #tpu.memory_space<hbm>>
    tpu.enqueue_indirect_dma source(%dma_start3A_180 : memref<131072xf32, #tpu.memory_space<hbm>>) target(%dma_start3A_175 : memref<128xf32, #tpu.memory_space<vmem>>) offsets(%dma_start3A_178 : memref<128xi32, #tpu.memory_space<vmem>>) semaphore(%arg9 : memref<!tpu.dma_semaphore, #tpu.memory_space<semaphore_mem>>)
    %dma_start3A_181 = arith.constant 10 : i32
    %dma_start3A_182 = arith.constant 10 : i32
    %dma_start3A_183 = arith.constant 0 : i32
    %dma_start3A_184 = tpu.memref_slice %arg8[%dma_start3A_182, %dma_start3A_183] : memref<32x128xf32, #tpu.memory_space<vmem>> -> memref<1x128xf32, #tpu.memory_space<vmem>>
    %dma_start3A_185 = tpu.memref_squeeze %dma_start3A_184 : memref<1x128xf32, #tpu.memory_space<vmem>> -> memref<128xf32, #tpu.memory_space<vmem>>
    %dma_start3A_186 = arith.constant 0 : i32
    %dma_start3A_187 = tpu.memref_slice %arg6[%dma_start3A_181, %dma_start3A_186] : memref<32x128xi32, #tpu.memory_space<vmem>> -> memref<1x128xi32, #tpu.memory_space<vmem>>
    %dma_start3A_188 = tpu.memref_squeeze %dma_start3A_187 : memref<1x128xi32, #tpu.memory_space<vmem>> -> memref<128xi32, #tpu.memory_space<vmem>>
    %dma_start3A_189 = arith.constant 0 : i32
    %dma_start3A_190 = tpu.memref_slice %arg2[%dma_start3A_189] : memref<131072xf32, #tpu.memory_space<hbm>> -> memref<131072xf32, #tpu.memory_space<hbm>>
    tpu.enqueue_indirect_dma source(%dma_start3A_190 : memref<131072xf32, #tpu.memory_space<hbm>>) target(%dma_start3A_185 : memref<128xf32, #tpu.memory_space<vmem>>) offsets(%dma_start3A_188 : memref<128xi32, #tpu.memory_space<vmem>>) semaphore(%arg9 : memref<!tpu.dma_semaphore, #tpu.memory_space<semaphore_mem>>)
    %dma_start3A_191 = arith.constant 11 : i32
    %dma_start3A_192 = arith.constant 11 : i32
    %dma_start3A_193 = arith.constant 0 : i32
    %dma_start3A_194 = tpu.memref_slice %arg8[%dma_start3A_192, %dma_start3A_193] : memref<32x128xf32, #tpu.memory_space<vmem>> -> memref<1x128xf32, #tpu.memory_space<vmem>>
    %dma_start3A_195 = tpu.memref_squeeze %dma_start3A_194 : memref<1x128xf32, #tpu.memory_space<vmem>> -> memref<128xf32, #tpu.memory_space<vmem>>
    %dma_start3A_196 = arith.constant 0 : i32
    %dma_start3A_197 = tpu.memref_slice %arg6[%dma_start3A_191, %dma_start3A_196] : memref<32x128xi32, #tpu.memory_space<vmem>> -> memref<1x128xi32, #tpu.memory_space<vmem>>
    %dma_start3A_198 = tpu.memref_squeeze %dma_start3A_197 : memref<1x128xi32, #tpu.memory_space<vmem>> -> memref<128xi32, #tpu.memory_space<vmem>>
    %dma_start3A_199 = arith.constant 0 : i32
    %dma_start3A_200 = tpu.memref_slice %arg2[%dma_start3A_199] : memref<131072xf32, #tpu.memory_space<hbm>> -> memref<131072xf32, #tpu.memory_space<hbm>>
    tpu.enqueue_indirect_dma source(%dma_start3A_200 : memref<131072xf32, #tpu.memory_space<hbm>>) target(%dma_start3A_195 : memref<128xf32, #tpu.memory_space<vmem>>) offsets(%dma_start3A_198 : memref<128xi32, #tpu.memory_space<vmem>>) semaphore(%arg9 : memref<!tpu.dma_semaphore, #tpu.memory_space<semaphore_mem>>)
    %dma_start3A_201 = arith.constant 12 : i32
    %dma_start3A_202 = arith.constant 12 : i32
    %dma_start3A_203 = arith.constant 0 : i32
    %dma_start3A_204 = tpu.memref_slice %arg8[%dma_start3A_202, %dma_start3A_203] : memref<32x128xf32, #tpu.memory_space<vmem>> -> memref<1x128xf32, #tpu.memory_space<vmem>>
    %dma_start3A_205 = tpu.memref_squeeze %dma_start3A_204 : memref<1x128xf32, #tpu.memory_space<vmem>> -> memref<128xf32, #tpu.memory_space<vmem>>
    %dma_start3A_206 = arith.constant 0 : i32
    %dma_start3A_207 = tpu.memref_slice %arg6[%dma_start3A_201, %dma_start3A_206] : memref<32x128xi32, #tpu.memory_space<vmem>> -> memref<1x128xi32, #tpu.memory_space<vmem>>
    %dma_start3A_208 = tpu.memref_squeeze %dma_start3A_207 : memref<1x128xi32, #tpu.memory_space<vmem>> -> memref<128xi32, #tpu.memory_space<vmem>>
    %dma_start3A_209 = arith.constant 0 : i32
    %dma_start3A_210 = tpu.memref_slice %arg2[%dma_start3A_209] : memref<131072xf32, #tpu.memory_space<hbm>> -> memref<131072xf32, #tpu.memory_space<hbm>>
    tpu.enqueue_indirect_dma source(%dma_start3A_210 : memref<131072xf32, #tpu.memory_space<hbm>>) target(%dma_start3A_205 : memref<128xf32, #tpu.memory_space<vmem>>) offsets(%dma_start3A_208 : memref<128xi32, #tpu.memory_space<vmem>>) semaphore(%arg9 : memref<!tpu.dma_semaphore, #tpu.memory_space<semaphore_mem>>)
    %dma_start3A_211 = arith.constant 13 : i32
    %dma_start3A_212 = arith.constant 13 : i32
    %dma_start3A_213 = arith.constant 0 : i32
    %dma_start3A_214 = tpu.memref_slice %arg8[%dma_start3A_212, %dma_start3A_213] : memref<32x128xf32, #tpu.memory_space<vmem>> -> memref<1x128xf32, #tpu.memory_space<vmem>>
    %dma_start3A_215 = tpu.memref_squeeze %dma_start3A_214 : memref<1x128xf32, #tpu.memory_space<vmem>> -> memref<128xf32, #tpu.memory_space<vmem>>
    %dma_start3A_216 = arith.constant 0 : i32
    %dma_start3A_217 = tpu.memref_slice %arg6[%dma_start3A_211, %dma_start3A_216] : memref<32x128xi32, #tpu.memory_space<vmem>> -> memref<1x128xi32, #tpu.memory_space<vmem>>
    %dma_start3A_218 = tpu.memref_squeeze %dma_start3A_217 : memref<1x128xi32, #tpu.memory_space<vmem>> -> memref<128xi32, #tpu.memory_space<vmem>>
    %dma_start3A_219 = arith.constant 0 : i32
    %dma_start3A_220 = tpu.memref_slice %arg2[%dma_start3A_219] : memref<131072xf32, #tpu.memory_space<hbm>> -> memref<131072xf32, #tpu.memory_space<hbm>>
    tpu.enqueue_indirect_dma source(%dma_start3A_220 : memref<131072xf32, #tpu.memory_space<hbm>>) target(%dma_start3A_215 : memref<128xf32, #tpu.memory_space<vmem>>) offsets(%dma_start3A_218 : memref<128xi32, #tpu.memory_space<vmem>>) semaphore(%arg9 : memref<!tpu.dma_semaphore, #tpu.memory_space<semaphore_mem>>)
    %dma_start3A_221 = arith.constant 14 : i32
    %dma_start3A_222 = arith.constant 14 : i32
    %dma_start3A_223 = arith.constant 0 : i32
    %dma_start3A_224 = tpu.memref_slice %arg8[%dma_start3A_222, %dma_start3A_223] : memref<32x128xf32, #tpu.memory_space<vmem>> -> memref<1x128xf32, #tpu.memory_space<vmem>>
    %dma_start3A_225 = tpu.memref_squeeze %dma_start3A_224 : memref<1x128xf32, #tpu.memory_space<vmem>> -> memref<128xf32, #tpu.memory_space<vmem>>
    %dma_start3A_226 = arith.constant 0 : i32
    %dma_start3A_227 = tpu.memref_slice %arg6[%dma_start3A_221, %dma_start3A_226] : memref<32x128xi32, #tpu.memory_space<vmem>> -> memref<1x128xi32, #tpu.memory_space<vmem>>
    %dma_start3A_228 = tpu.memref_squeeze %dma_start3A_227 : memref<1x128xi32, #tpu.memory_space<vmem>> -> memref<128xi32, #tpu.memory_space<vmem>>
    %dma_start3A_229 = arith.constant 0 : i32
    %dma_start3A_230 = tpu.memref_slice %arg2[%dma_start3A_229] : memref<131072xf32, #tpu.memory_space<hbm>> -> memref<131072xf32, #tpu.memory_space<hbm>>
    tpu.enqueue_indirect_dma source(%dma_start3A_230 : memref<131072xf32, #tpu.memory_space<hbm>>) target(%dma_start3A_225 : memref<128xf32, #tpu.memory_space<vmem>>) offsets(%dma_start3A_228 : memref<128xi32, #tpu.memory_space<vmem>>) semaphore(%arg9 : memref<!tpu.dma_semaphore, #tpu.memory_space<semaphore_mem>>)
    %dma_start3A_231 = arith.constant 15 : i32
    %dma_start3A_232 = arith.constant 15 : i32
    %dma_start3A_233 = arith.constant 0 : i32
    %dma_start3A_234 = tpu.memref_slice %arg8[%dma_start3A_232, %dma_start3A_233] : memref<32x128xf32, #tpu.memory_space<vmem>> -> memref<1x128xf32, #tpu.memory_space<vmem>>
    %dma_start3A_235 = tpu.memref_squeeze %dma_start3A_234 : memref<1x128xf32, #tpu.memory_space<vmem>> -> memref<128xf32, #tpu.memory_space<vmem>>
    %dma_start3A_236 = arith.constant 0 : i32
    %dma_start3A_237 = tpu.memref_slice %arg6[%dma_start3A_231, %dma_start3A_236] : memref<32x128xi32, #tpu.memory_space<vmem>> -> memref<1x128xi32, #tpu.memory_space<vmem>>
    %dma_start3A_238 = tpu.memref_squeeze %dma_start3A_237 : memref<1x128xi32, #tpu.memory_space<vmem>> -> memref<128xi32, #tpu.memory_space<vmem>>
    %dma_start3A_239 = arith.constant 0 : i32
    %dma_start3A_240 = tpu.memref_slice %arg2[%dma_start3A_239] : memref<131072xf32, #tpu.memory_space<hbm>> -> memref<131072xf32, #tpu.memory_space<hbm>>
    tpu.enqueue_indirect_dma source(%dma_start3A_240 : memref<131072xf32, #tpu.memory_space<hbm>>) target(%dma_start3A_235 : memref<128xf32, #tpu.memory_space<vmem>>) offsets(%dma_start3A_238 : memref<128xi32, #tpu.memory_space<vmem>>) semaphore(%arg9 : memref<!tpu.dma_semaphore, #tpu.memory_space<semaphore_mem>>)
    %dma_wait3A_241 = arith.constant 8 : i32
    %dma_wait3A_242 = arith.constant 8 : i32
    %dma_wait3A_243 = arith.constant 0 : i32
    %dma_wait3A_244 = tpu.memref_slice %arg8[%dma_wait3A_242, %dma_wait3A_243] : memref<32x128xf32, #tpu.memory_space<vmem>> -> memref<1x128xf32, #tpu.memory_space<vmem>>
    %dma_wait3A_245 = tpu.memref_squeeze %dma_wait3A_244 : memref<1x128xf32, #tpu.memory_space<vmem>> -> memref<128xf32, #tpu.memory_space<vmem>>
    %dma_wait3A_246 = arith.constant 0 : i32
    %dma_wait3A_247 = tpu.memref_slice %arg6[%dma_wait3A_241, %dma_wait3A_246] : memref<32x128xi32, #tpu.memory_space<vmem>> -> memref<1x128xi32, #tpu.memory_space<vmem>>
    %dma_wait3A_248 = tpu.memref_squeeze %dma_wait3A_247 : memref<1x128xi32, #tpu.memory_space<vmem>> -> memref<128xi32, #tpu.memory_space<vmem>>
    %dma_wait3A_249 = arith.constant 0 : i32
    %dma_wait3A_250 = tpu.memref_slice %arg2[%dma_wait3A_249] : memref<131072xf32, #tpu.memory_space<hbm>> -> memref<131072xf32, #tpu.memory_space<hbm>>
    tpu.wait_indirect_dma semaphore(%arg9 : memref<!tpu.dma_semaphore, #tpu.memory_space<semaphore_mem>>) src(%dma_wait3A_250 : memref<131072xf32, #tpu.memory_space<hbm>>) dst(%dma_wait3A_245 : memref<128xf32, #tpu.memory_space<vmem>>)
    %dma_wait3A_251 = arith.constant 9 : i32
    %dma_wait3A_252 = arith.constant 9 : i32
    %dma_wait3A_253 = arith.constant 0 : i32
    %dma_wait3A_254 = tpu.memref_slice %arg8[%dma_wait3A_252, %dma_wait3A_253] : memref<32x128xf32, #tpu.memory_space<vmem>> -> memref<1x128xf32, #tpu.memory_space<vmem>>
    %dma_wait3A_255 = tpu.memref_squeeze %dma_wait3A_254 : memref<1x128xf32, #tpu.memory_space<vmem>> -> memref<128xf32, #tpu.memory_space<vmem>>
    %dma_wait3A_256 = arith.constant 0 : i32
    %dma_wait3A_257 = tpu.memref_slice %arg6[%dma_wait3A_251, %dma_wait3A_256] : memref<32x128xi32, #tpu.memory_space<vmem>> -> memref<1x128xi32, #tpu.memory_space<vmem>>
    %dma_wait3A_258 = tpu.memref_squeeze %dma_wait3A_257 : memref<1x128xi32, #tpu.memory_space<vmem>> -> memref<128xi32, #tpu.memory_space<vmem>>
    %dma_wait3A_259 = arith.constant 0 : i32
    %dma_wait3A_260 = tpu.memref_slice %arg2[%dma_wait3A_259] : memref<131072xf32, #tpu.memory_space<hbm>> -> memref<131072xf32, #tpu.memory_space<hbm>>
    tpu.wait_indirect_dma semaphore(%arg9 : memref<!tpu.dma_semaphore, #tpu.memory_space<semaphore_mem>>) src(%dma_wait3A_260 : memref<131072xf32, #tpu.memory_space<hbm>>) dst(%dma_wait3A_255 : memref<128xf32, #tpu.memory_space<vmem>>)
    %dma_wait3A_261 = arith.constant 10 : i32
    %dma_wait3A_262 = arith.constant 10 : i32
    %dma_wait3A_263 = arith.constant 0 : i32
    %dma_wait3A_264 = tpu.memref_slice %arg8[%dma_wait3A_262, %dma_wait3A_263] : memref<32x128xf32, #tpu.memory_space<vmem>> -> memref<1x128xf32, #tpu.memory_space<vmem>>
    %dma_wait3A_265 = tpu.memref_squeeze %dma_wait3A_264 : memref<1x128xf32, #tpu.memory_space<vmem>> -> memref<128xf32, #tpu.memory_space<vmem>>
    %dma_wait3A_266 = arith.constant 0 : i32
    %dma_wait3A_267 = tpu.memref_slice %arg6[%dma_wait3A_261, %dma_wait3A_266] : memref<32x128xi32, #tpu.memory_space<vmem>> -> memref<1x128xi32, #tpu.memory_space<vmem>>
    %dma_wait3A_268 = tpu.memref_squeeze %dma_wait3A_267 : memref<1x128xi32, #tpu.memory_space<vmem>> -> memref<128xi32, #tpu.memory_space<vmem>>
    %dma_wait3A_269 = arith.constant 0 : i32
    %dma_wait3A_270 = tpu.memref_slice %arg2[%dma_wait3A_269] : memref<131072xf32, #tpu.memory_space<hbm>> -> memref<131072xf32, #tpu.memory_space<hbm>>
    tpu.wait_indirect_dma semaphore(%arg9 : memref<!tpu.dma_semaphore, #tpu.memory_space<semaphore_mem>>) src(%dma_wait3A_270 : memref<131072xf32, #tpu.memory_space<hbm>>) dst(%dma_wait3A_265 : memref<128xf32, #tpu.memory_space<vmem>>)
    %dma_wait3A_271 = arith.constant 11 : i32
    %dma_wait3A_272 = arith.constant 11 : i32
    %dma_wait3A_273 = arith.constant 0 : i32
    %dma_wait3A_274 = tpu.memref_slice %arg8[%dma_wait3A_272, %dma_wait3A_273] : memref<32x128xf32, #tpu.memory_space<vmem>> -> memref<1x128xf32, #tpu.memory_space<vmem>>
    %dma_wait3A_275 = tpu.memref_squeeze %dma_wait3A_274 : memref<1x128xf32, #tpu.memory_space<vmem>> -> memref<128xf32, #tpu.memory_space<vmem>>
    %dma_wait3A_276 = arith.constant 0 : i32
    %dma_wait3A_277 = tpu.memref_slice %arg6[%dma_wait3A_271, %dma_wait3A_276] : memref<32x128xi32, #tpu.memory_space<vmem>> -> memref<1x128xi32, #tpu.memory_space<vmem>>
    %dma_wait3A_278 = tpu.memref_squeeze %dma_wait3A_277 : memref<1x128xi32, #tpu.memory_space<vmem>> -> memref<128xi32, #tpu.memory_space<vmem>>
    %dma_wait3A_279 = arith.constant 0 : i32
    %dma_wait3A_280 = tpu.memref_slice %arg2[%dma_wait3A_279] : memref<131072xf32, #tpu.memory_space<hbm>> -> memref<131072xf32, #tpu.memory_space<hbm>>
    tpu.wait_indirect_dma semaphore(%arg9 : memref<!tpu.dma_semaphore, #tpu.memory_space<semaphore_mem>>) src(%dma_wait3A_280 : memref<131072xf32, #tpu.memory_space<hbm>>) dst(%dma_wait3A_275 : memref<128xf32, #tpu.memory_space<vmem>>)
    %dma_wait3A_281 = arith.constant 12 : i32
    %dma_wait3A_282 = arith.constant 12 : i32
    %dma_wait3A_283 = arith.constant 0 : i32
    %dma_wait3A_284 = tpu.memref_slice %arg8[%dma_wait3A_282, %dma_wait3A_283] : memref<32x128xf32, #tpu.memory_space<vmem>> -> memref<1x128xf32, #tpu.memory_space<vmem>>
    %dma_wait3A_285 = tpu.memref_squeeze %dma_wait3A_284 : memref<1x128xf32, #tpu.memory_space<vmem>> -> memref<128xf32, #tpu.memory_space<vmem>>
    %dma_wait3A_286 = arith.constant 0 : i32
    %dma_wait3A_287 = tpu.memref_slice %arg6[%dma_wait3A_281, %dma_wait3A_286] : memref<32x128xi32, #tpu.memory_space<vmem>> -> memref<1x128xi32, #tpu.memory_space<vmem>>
    %dma_wait3A_288 = tpu.memref_squeeze %dma_wait3A_287 : memref<1x128xi32, #tpu.memory_space<vmem>> -> memref<128xi32, #tpu.memory_space<vmem>>
    %dma_wait3A_289 = arith.constant 0 : i32
    %dma_wait3A_290 = tpu.memref_slice %arg2[%dma_wait3A_289] : memref<131072xf32, #tpu.memory_space<hbm>> -> memref<131072xf32, #tpu.memory_space<hbm>>
    tpu.wait_indirect_dma semaphore(%arg9 : memref<!tpu.dma_semaphore, #tpu.memory_space<semaphore_mem>>) src(%dma_wait3A_290 : memref<131072xf32, #tpu.memory_space<hbm>>) dst(%dma_wait3A_285 : memref<128xf32, #tpu.memory_space<vmem>>)
    %dma_wait3A_291 = arith.constant 13 : i32
    %dma_wait3A_292 = arith.constant 13 : i32
    %dma_wait3A_293 = arith.constant 0 : i32
    %dma_wait3A_294 = tpu.memref_slice %arg8[%dma_wait3A_292, %dma_wait3A_293] : memref<32x128xf32, #tpu.memory_space<vmem>> -> memref<1x128xf32, #tpu.memory_space<vmem>>
    %dma_wait3A_295 = tpu.memref_squeeze %dma_wait3A_294 : memref<1x128xf32, #tpu.memory_space<vmem>> -> memref<128xf32, #tpu.memory_space<vmem>>
    %dma_wait3A_296 = arith.constant 0 : i32
    %dma_wait3A_297 = tpu.memref_slice %arg6[%dma_wait3A_291, %dma_wait3A_296] : memref<32x128xi32, #tpu.memory_space<vmem>> -> memref<1x128xi32, #tpu.memory_space<vmem>>
    %dma_wait3A_298 = tpu.memref_squeeze %dma_wait3A_297 : memref<1x128xi32, #tpu.memory_space<vmem>> -> memref<128xi32, #tpu.memory_space<vmem>>
    %dma_wait3A_299 = arith.constant 0 : i32
    %dma_wait3A_300 = tpu.memref_slice %arg2[%dma_wait3A_299] : memref<131072xf32, #tpu.memory_space<hbm>> -> memref<131072xf32, #tpu.memory_space<hbm>>
    tpu.wait_indirect_dma semaphore(%arg9 : memref<!tpu.dma_semaphore, #tpu.memory_space<semaphore_mem>>) src(%dma_wait3A_300 : memref<131072xf32, #tpu.memory_space<hbm>>) dst(%dma_wait3A_295 : memref<128xf32, #tpu.memory_space<vmem>>)
    %dma_wait3A_301 = arith.constant 14 : i32
    %dma_wait3A_302 = arith.constant 14 : i32
    %dma_wait3A_303 = arith.constant 0 : i32
    %dma_wait3A_304 = tpu.memref_slice %arg8[%dma_wait3A_302, %dma_wait3A_303] : memref<32x128xf32, #tpu.memory_space<vmem>> -> memref<1x128xf32, #tpu.memory_space<vmem>>
    %dma_wait3A_305 = tpu.memref_squeeze %dma_wait3A_304 : memref<1x128xf32, #tpu.memory_space<vmem>> -> memref<128xf32, #tpu.memory_space<vmem>>
    %dma_wait3A_306 = arith.constant 0 : i32
    %dma_wait3A_307 = tpu.memref_slice %arg6[%dma_wait3A_301, %dma_wait3A_306] : memref<32x128xi32, #tpu.memory_space<vmem>> -> memref<1x128xi32, #tpu.memory_space<vmem>>
    %dma_wait3A_308 = tpu.memref_squeeze %dma_wait3A_307 : memref<1x128xi32, #tpu.memory_space<vmem>> -> memref<128xi32, #tpu.memory_space<vmem>>
    %dma_wait3A_309 = arith.constant 0 : i32
    %dma_wait3A_310 = tpu.memref_slice %arg2[%dma_wait3A_309] : memref<131072xf32, #tpu.memory_space<hbm>> -> memref<131072xf32, #tpu.memory_space<hbm>>
    tpu.wait_indirect_dma semaphore(%arg9 : memref<!tpu.dma_semaphore, #tpu.memory_space<semaphore_mem>>) src(%dma_wait3A_310 : memref<131072xf32, #tpu.memory_space<hbm>>) dst(%dma_wait3A_305 : memref<128xf32, #tpu.memory_space<vmem>>)
    %dma_wait3A_311 = arith.constant 15 : i32
    %dma_wait3A_312 = arith.constant 15 : i32
    %dma_wait3A_313 = arith.constant 0 : i32
    %dma_wait3A_314 = tpu.memref_slice %arg8[%dma_wait3A_312, %dma_wait3A_313] : memref<32x128xf32, #tpu.memory_space<vmem>> -> memref<1x128xf32, #tpu.memory_space<vmem>>
    %dma_wait3A_315 = tpu.memref_squeeze %dma_wait3A_314 : memref<1x128xf32, #tpu.memory_space<vmem>> -> memref<128xf32, #tpu.memory_space<vmem>>
    %dma_wait3A_316 = arith.constant 0 : i32
    %dma_wait3A_317 = tpu.memref_slice %arg6[%dma_wait3A_311, %dma_wait3A_316] : memref<32x128xi32, #tpu.memory_space<vmem>> -> memref<1x128xi32, #tpu.memory_space<vmem>>
    %dma_wait3A_318 = tpu.memref_squeeze %dma_wait3A_317 : memref<1x128xi32, #tpu.memory_space<vmem>> -> memref<128xi32, #tpu.memory_space<vmem>>
    %dma_wait3A_319 = arith.constant 0 : i32
    %dma_wait3A_320 = tpu.memref_slice %arg2[%dma_wait3A_319] : memref<131072xf32, #tpu.memory_space<hbm>> -> memref<131072xf32, #tpu.memory_space<hbm>>
    tpu.wait_indirect_dma semaphore(%arg9 : memref<!tpu.dma_semaphore, #tpu.memory_space<semaphore_mem>>) src(%dma_wait3A_320 : memref<131072xf32, #tpu.memory_space<hbm>>) dst(%dma_wait3A_315 : memref<128xf32, #tpu.memory_space<vmem>>)
    %dma_start3A_321 = arith.constant 16 : i32
    %dma_start3A_322 = arith.constant 16 : i32
    %dma_start3A_323 = arith.constant 0 : i32
    %dma_start3A_324 = tpu.memref_slice %arg8[%dma_start3A_322, %dma_start3A_323] : memref<32x128xf32, #tpu.memory_space<vmem>> -> memref<1x128xf32, #tpu.memory_space<vmem>>
    %dma_start3A_325 = tpu.memref_squeeze %dma_start3A_324 : memref<1x128xf32, #tpu.memory_space<vmem>> -> memref<128xf32, #tpu.memory_space<vmem>>
    %dma_start3A_326 = arith.constant 0 : i32
    %dma_start3A_327 = tpu.memref_slice %arg6[%dma_start3A_321, %dma_start3A_326] : memref<32x128xi32, #tpu.memory_space<vmem>> -> memref<1x128xi32, #tpu.memory_space<vmem>>
    %dma_start3A_328 = tpu.memref_squeeze %dma_start3A_327 : memref<1x128xi32, #tpu.memory_space<vmem>> -> memref<128xi32, #tpu.memory_space<vmem>>
    %dma_start3A_329 = arith.constant 0 : i32
    %dma_start3A_330 = tpu.memref_slice %arg2[%dma_start3A_329] : memref<131072xf32, #tpu.memory_space<hbm>> -> memref<131072xf32, #tpu.memory_space<hbm>>
    tpu.enqueue_indirect_dma source(%dma_start3A_330 : memref<131072xf32, #tpu.memory_space<hbm>>) target(%dma_start3A_325 : memref<128xf32, #tpu.memory_space<vmem>>) offsets(%dma_start3A_328 : memref<128xi32, #tpu.memory_space<vmem>>) semaphore(%arg9 : memref<!tpu.dma_semaphore, #tpu.memory_space<semaphore_mem>>)
    %dma_start3A_331 = arith.constant 17 : i32
    %dma_start3A_332 = arith.constant 17 : i32
    %dma_start3A_333 = arith.constant 0 : i32
    %dma_start3A_334 = tpu.memref_slice %arg8[%dma_start3A_332, %dma_start3A_333] : memref<32x128xf32, #tpu.memory_space<vmem>> -> memref<1x128xf32, #tpu.memory_space<vmem>>
    %dma_start3A_335 = tpu.memref_squeeze %dma_start3A_334 : memref<1x128xf32, #tpu.memory_space<vmem>> -> memref<128xf32, #tpu.memory_space<vmem>>
    %dma_start3A_336 = arith.constant 0 : i32
    %dma_start3A_337 = tpu.memref_slice %arg6[%dma_start3A_331, %dma_start3A_336] : memref<32x128xi32, #tpu.memory_space<vmem>> -> memref<1x128xi32, #tpu.memory_space<vmem>>
    %dma_start3A_338 = tpu.memref_squeeze %dma_start3A_337 : memref<1x128xi32, #tpu.memory_space<vmem>> -> memref<128xi32, #tpu.memory_space<vmem>>
    %dma_start3A_339 = arith.constant 0 : i32
    %dma_start3A_340 = tpu.memref_slice %arg2[%dma_start3A_339] : memref<131072xf32, #tpu.memory_space<hbm>> -> memref<131072xf32, #tpu.memory_space<hbm>>
    tpu.enqueue_indirect_dma source(%dma_start3A_340 : memref<131072xf32, #tpu.memory_space<hbm>>) target(%dma_start3A_335 : memref<128xf32, #tpu.memory_space<vmem>>) offsets(%dma_start3A_338 : memref<128xi32, #tpu.memory_space<vmem>>) semaphore(%arg9 : memref<!tpu.dma_semaphore, #tpu.memory_space<semaphore_mem>>)
    %dma_start3A_341 = arith.constant 18 : i32
    %dma_start3A_342 = arith.constant 18 : i32
    %dma_start3A_343 = arith.constant 0 : i32
    %dma_start3A_344 = tpu.memref_slice %arg8[%dma_start3A_342, %dma_start3A_343] : memref<32x128xf32, #tpu.memory_space<vmem>> -> memref<1x128xf32, #tpu.memory_space<vmem>>
    %dma_start3A_345 = tpu.memref_squeeze %dma_start3A_344 : memref<1x128xf32, #tpu.memory_space<vmem>> -> memref<128xf32, #tpu.memory_space<vmem>>
    %dma_start3A_346 = arith.constant 0 : i32
    %dma_start3A_347 = tpu.memref_slice %arg6[%dma_start3A_341, %dma_start3A_346] : memref<32x128xi32, #tpu.memory_space<vmem>> -> memref<1x128xi32, #tpu.memory_space<vmem>>
    %dma_start3A_348 = tpu.memref_squeeze %dma_start3A_347 : memref<1x128xi32, #tpu.memory_space<vmem>> -> memref<128xi32, #tpu.memory_space<vmem>>
    %dma_start3A_349 = arith.constant 0 : i32
    %dma_start3A_350 = tpu.memref_slice %arg2[%dma_start3A_349] : memref<131072xf32, #tpu.memory_space<hbm>> -> memref<131072xf32, #tpu.memory_space<hbm>>
    tpu.enqueue_indirect_dma source(%dma_start3A_350 : memref<131072xf32, #tpu.memory_space<hbm>>) target(%dma_start3A_345 : memref<128xf32, #tpu.memory_space<vmem>>) offsets(%dma_start3A_348 : memref<128xi32, #tpu.memory_space<vmem>>) semaphore(%arg9 : memref<!tpu.dma_semaphore, #tpu.memory_space<semaphore_mem>>)
    %dma_start3A_351 = arith.constant 19 : i32
    %dma_start3A_352 = arith.constant 19 : i32
    %dma_start3A_353 = arith.constant 0 : i32
    %dma_start3A_354 = tpu.memref_slice %arg8[%dma_start3A_352, %dma_start3A_353] : memref<32x128xf32, #tpu.memory_space<vmem>> -> memref<1x128xf32, #tpu.memory_space<vmem>>
    %dma_start3A_355 = tpu.memref_squeeze %dma_start3A_354 : memref<1x128xf32, #tpu.memory_space<vmem>> -> memref<128xf32, #tpu.memory_space<vmem>>
    %dma_start3A_356 = arith.constant 0 : i32
    %dma_start3A_357 = tpu.memref_slice %arg6[%dma_start3A_351, %dma_start3A_356] : memref<32x128xi32, #tpu.memory_space<vmem>> -> memref<1x128xi32, #tpu.memory_space<vmem>>
    %dma_start3A_358 = tpu.memref_squeeze %dma_start3A_357 : memref<1x128xi32, #tpu.memory_space<vmem>> -> memref<128xi32, #tpu.memory_space<vmem>>
    %dma_start3A_359 = arith.constant 0 : i32
    %dma_start3A_360 = tpu.memref_slice %arg2[%dma_start3A_359] : memref<131072xf32, #tpu.memory_space<hbm>> -> memref<131072xf32, #tpu.memory_space<hbm>>
    tpu.enqueue_indirect_dma source(%dma_start3A_360 : memref<131072xf32, #tpu.memory_space<hbm>>) target(%dma_start3A_355 : memref<128xf32, #tpu.memory_space<vmem>>) offsets(%dma_start3A_358 : memref<128xi32, #tpu.memory_space<vmem>>) semaphore(%arg9 : memref<!tpu.dma_semaphore, #tpu.memory_space<semaphore_mem>>)
    %dma_start3A_361 = arith.constant 20 : i32
    %dma_start3A_362 = arith.constant 20 : i32
    %dma_start3A_363 = arith.constant 0 : i32
    %dma_start3A_364 = tpu.memref_slice %arg8[%dma_start3A_362, %dma_start3A_363] : memref<32x128xf32, #tpu.memory_space<vmem>> -> memref<1x128xf32, #tpu.memory_space<vmem>>
    %dma_start3A_365 = tpu.memref_squeeze %dma_start3A_364 : memref<1x128xf32, #tpu.memory_space<vmem>> -> memref<128xf32, #tpu.memory_space<vmem>>
    %dma_start3A_366 = arith.constant 0 : i32
    %dma_start3A_367 = tpu.memref_slice %arg6[%dma_start3A_361, %dma_start3A_366] : memref<32x128xi32, #tpu.memory_space<vmem>> -> memref<1x128xi32, #tpu.memory_space<vmem>>
    %dma_start3A_368 = tpu.memref_squeeze %dma_start3A_367 : memref<1x128xi32, #tpu.memory_space<vmem>> -> memref<128xi32, #tpu.memory_space<vmem>>
    %dma_start3A_369 = arith.constant 0 : i32
    %dma_start3A_370 = tpu.memref_slice %arg2[%dma_start3A_369] : memref<131072xf32, #tpu.memory_space<hbm>> -> memref<131072xf32, #tpu.memory_space<hbm>>
    tpu.enqueue_indirect_dma source(%dma_start3A_370 : memref<131072xf32, #tpu.memory_space<hbm>>) target(%dma_start3A_365 : memref<128xf32, #tpu.memory_space<vmem>>) offsets(%dma_start3A_368 : memref<128xi32, #tpu.memory_space<vmem>>) semaphore(%arg9 : memref<!tpu.dma_semaphore, #tpu.memory_space<semaphore_mem>>)
    %dma_start3A_371 = arith.constant 21 : i32
    %dma_start3A_372 = arith.constant 21 : i32
    %dma_start3A_373 = arith.constant 0 : i32
    %dma_start3A_374 = tpu.memref_slice %arg8[%dma_start3A_372, %dma_start3A_373] : memref<32x128xf32, #tpu.memory_space<vmem>> -> memref<1x128xf32, #tpu.memory_space<vmem>>
    %dma_start3A_375 = tpu.memref_squeeze %dma_start3A_374 : memref<1x128xf32, #tpu.memory_space<vmem>> -> memref<128xf32, #tpu.memory_space<vmem>>
    %dma_start3A_376 = arith.constant 0 : i32
    %dma_start3A_377 = tpu.memref_slice %arg6[%dma_start3A_371, %dma_start3A_376] : memref<32x128xi32, #tpu.memory_space<vmem>> -> memref<1x128xi32, #tpu.memory_space<vmem>>
    %dma_start3A_378 = tpu.memref_squeeze %dma_start3A_377 : memref<1x128xi32, #tpu.memory_space<vmem>> -> memref<128xi32, #tpu.memory_space<vmem>>
    %dma_start3A_379 = arith.constant 0 : i32
    %dma_start3A_380 = tpu.memref_slice %arg2[%dma_start3A_379] : memref<131072xf32, #tpu.memory_space<hbm>> -> memref<131072xf32, #tpu.memory_space<hbm>>
    tpu.enqueue_indirect_dma source(%dma_start3A_380 : memref<131072xf32, #tpu.memory_space<hbm>>) target(%dma_start3A_375 : memref<128xf32, #tpu.memory_space<vmem>>) offsets(%dma_start3A_378 : memref<128xi32, #tpu.memory_space<vmem>>) semaphore(%arg9 : memref<!tpu.dma_semaphore, #tpu.memory_space<semaphore_mem>>)
    %dma_start3A_381 = arith.constant 22 : i32
    %dma_start3A_382 = arith.constant 22 : i32
    %dma_start3A_383 = arith.constant 0 : i32
    %dma_start3A_384 = tpu.memref_slice %arg8[%dma_start3A_382, %dma_start3A_383] : memref<32x128xf32, #tpu.memory_space<vmem>> -> memref<1x128xf32, #tpu.memory_space<vmem>>
    %dma_start3A_385 = tpu.memref_squeeze %dma_start3A_384 : memref<1x128xf32, #tpu.memory_space<vmem>> -> memref<128xf32, #tpu.memory_space<vmem>>
    %dma_start3A_386 = arith.constant 0 : i32
    %dma_start3A_387 = tpu.memref_slice %arg6[%dma_start3A_381, %dma_start3A_386] : memref<32x128xi32, #tpu.memory_space<vmem>> -> memref<1x128xi32, #tpu.memory_space<vmem>>
    %dma_start3A_388 = tpu.memref_squeeze %dma_start3A_387 : memref<1x128xi32, #tpu.memory_space<vmem>> -> memref<128xi32, #tpu.memory_space<vmem>>
    %dma_start3A_389 = arith.constant 0 : i32
    %dma_start3A_390 = tpu.memref_slice %arg2[%dma_start3A_389] : memref<131072xf32, #tpu.memory_space<hbm>> -> memref<131072xf32, #tpu.memory_space<hbm>>
    tpu.enqueue_indirect_dma source(%dma_start3A_390 : memref<131072xf32, #tpu.memory_space<hbm>>) target(%dma_start3A_385 : memref<128xf32, #tpu.memory_space<vmem>>) offsets(%dma_start3A_388 : memref<128xi32, #tpu.memory_space<vmem>>) semaphore(%arg9 : memref<!tpu.dma_semaphore, #tpu.memory_space<semaphore_mem>>)
    %dma_start3A_391 = arith.constant 23 : i32
    %dma_start3A_392 = arith.constant 23 : i32
    %dma_start3A_393 = arith.constant 0 : i32
    %dma_start3A_394 = tpu.memref_slice %arg8[%dma_start3A_392, %dma_start3A_393] : memref<32x128xf32, #tpu.memory_space<vmem>> -> memref<1x128xf32, #tpu.memory_space<vmem>>
    %dma_start3A_395 = tpu.memref_squeeze %dma_start3A_394 : memref<1x128xf32, #tpu.memory_space<vmem>> -> memref<128xf32, #tpu.memory_space<vmem>>
    %dma_start3A_396 = arith.constant 0 : i32
    %dma_start3A_397 = tpu.memref_slice %arg6[%dma_start3A_391, %dma_start3A_396] : memref<32x128xi32, #tpu.memory_space<vmem>> -> memref<1x128xi32, #tpu.memory_space<vmem>>
    %dma_start3A_398 = tpu.memref_squeeze %dma_start3A_397 : memref<1x128xi32, #tpu.memory_space<vmem>> -> memref<128xi32, #tpu.memory_space<vmem>>
    %dma_start3A_399 = arith.constant 0 : i32
    %dma_start3A_400 = tpu.memref_slice %arg2[%dma_start3A_399] : memref<131072xf32, #tpu.memory_space<hbm>> -> memref<131072xf32, #tpu.memory_space<hbm>>
    tpu.enqueue_indirect_dma source(%dma_start3A_400 : memref<131072xf32, #tpu.memory_space<hbm>>) target(%dma_start3A_395 : memref<128xf32, #tpu.memory_space<vmem>>) offsets(%dma_start3A_398 : memref<128xi32, #tpu.memory_space<vmem>>) semaphore(%arg9 : memref<!tpu.dma_semaphore, #tpu.memory_space<semaphore_mem>>)
    %dma_wait3A_401 = arith.constant 16 : i32
    %dma_wait3A_402 = arith.constant 16 : i32
    %dma_wait3A_403 = arith.constant 0 : i32
    %dma_wait3A_404 = tpu.memref_slice %arg8[%dma_wait3A_402, %dma_wait3A_403] : memref<32x128xf32, #tpu.memory_space<vmem>> -> memref<1x128xf32, #tpu.memory_space<vmem>>
    %dma_wait3A_405 = tpu.memref_squeeze %dma_wait3A_404 : memref<1x128xf32, #tpu.memory_space<vmem>> -> memref<128xf32, #tpu.memory_space<vmem>>
    %dma_wait3A_406 = arith.constant 0 : i32
    %dma_wait3A_407 = tpu.memref_slice %arg6[%dma_wait3A_401, %dma_wait3A_406] : memref<32x128xi32, #tpu.memory_space<vmem>> -> memref<1x128xi32, #tpu.memory_space<vmem>>
    %dma_wait3A_408 = tpu.memref_squeeze %dma_wait3A_407 : memref<1x128xi32, #tpu.memory_space<vmem>> -> memref<128xi32, #tpu.memory_space<vmem>>
    %dma_wait3A_409 = arith.constant 0 : i32
    %dma_wait3A_410 = tpu.memref_slice %arg2[%dma_wait3A_409] : memref<131072xf32, #tpu.memory_space<hbm>> -> memref<131072xf32, #tpu.memory_space<hbm>>
    tpu.wait_indirect_dma semaphore(%arg9 : memref<!tpu.dma_semaphore, #tpu.memory_space<semaphore_mem>>) src(%dma_wait3A_410 : memref<131072xf32, #tpu.memory_space<hbm>>) dst(%dma_wait3A_405 : memref<128xf32, #tpu.memory_space<vmem>>)
    %dma_wait3A_411 = arith.constant 17 : i32
    %dma_wait3A_412 = arith.constant 17 : i32
    %dma_wait3A_413 = arith.constant 0 : i32
    %dma_wait3A_414 = tpu.memref_slice %arg8[%dma_wait3A_412, %dma_wait3A_413] : memref<32x128xf32, #tpu.memory_space<vmem>> -> memref<1x128xf32, #tpu.memory_space<vmem>>
    %dma_wait3A_415 = tpu.memref_squeeze %dma_wait3A_414 : memref<1x128xf32, #tpu.memory_space<vmem>> -> memref<128xf32, #tpu.memory_space<vmem>>
    %dma_wait3A_416 = arith.constant 0 : i32
    %dma_wait3A_417 = tpu.memref_slice %arg6[%dma_wait3A_411, %dma_wait3A_416] : memref<32x128xi32, #tpu.memory_space<vmem>> -> memref<1x128xi32, #tpu.memory_space<vmem>>
    %dma_wait3A_418 = tpu.memref_squeeze %dma_wait3A_417 : memref<1x128xi32, #tpu.memory_space<vmem>> -> memref<128xi32, #tpu.memory_space<vmem>>
    %dma_wait3A_419 = arith.constant 0 : i32
    %dma_wait3A_420 = tpu.memref_slice %arg2[%dma_wait3A_419] : memref<131072xf32, #tpu.memory_space<hbm>> -> memref<131072xf32, #tpu.memory_space<hbm>>
    tpu.wait_indirect_dma semaphore(%arg9 : memref<!tpu.dma_semaphore, #tpu.memory_space<semaphore_mem>>) src(%dma_wait3A_420 : memref<131072xf32, #tpu.memory_space<hbm>>) dst(%dma_wait3A_415 : memref<128xf32, #tpu.memory_space<vmem>>)
    %dma_wait3A_421 = arith.constant 18 : i32
    %dma_wait3A_422 = arith.constant 18 : i32
    %dma_wait3A_423 = arith.constant 0 : i32
    %dma_wait3A_424 = tpu.memref_slice %arg8[%dma_wait3A_422, %dma_wait3A_423] : memref<32x128xf32, #tpu.memory_space<vmem>> -> memref<1x128xf32, #tpu.memory_space<vmem>>
    %dma_wait3A_425 = tpu.memref_squeeze %dma_wait3A_424 : memref<1x128xf32, #tpu.memory_space<vmem>> -> memref<128xf32, #tpu.memory_space<vmem>>
    %dma_wait3A_426 = arith.constant 0 : i32
    %dma_wait3A_427 = tpu.memref_slice %arg6[%dma_wait3A_421, %dma_wait3A_426] : memref<32x128xi32, #tpu.memory_space<vmem>> -> memref<1x128xi32, #tpu.memory_space<vmem>>
    %dma_wait3A_428 = tpu.memref_squeeze %dma_wait3A_427 : memref<1x128xi32, #tpu.memory_space<vmem>> -> memref<128xi32, #tpu.memory_space<vmem>>
    %dma_wait3A_429 = arith.constant 0 : i32
    %dma_wait3A_430 = tpu.memref_slice %arg2[%dma_wait3A_429] : memref<131072xf32, #tpu.memory_space<hbm>> -> memref<131072xf32, #tpu.memory_space<hbm>>
    tpu.wait_indirect_dma semaphore(%arg9 : memref<!tpu.dma_semaphore, #tpu.memory_space<semaphore_mem>>) src(%dma_wait3A_430 : memref<131072xf32, #tpu.memory_space<hbm>>) dst(%dma_wait3A_425 : memref<128xf32, #tpu.memory_space<vmem>>)
    %dma_wait3A_431 = arith.constant 19 : i32
    %dma_wait3A_432 = arith.constant 19 : i32
    %dma_wait3A_433 = arith.constant 0 : i32
    %dma_wait3A_434 = tpu.memref_slice %arg8[%dma_wait3A_432, %dma_wait3A_433] : memref<32x128xf32, #tpu.memory_space<vmem>> -> memref<1x128xf32, #tpu.memory_space<vmem>>
    %dma_wait3A_435 = tpu.memref_squeeze %dma_wait3A_434 : memref<1x128xf32, #tpu.memory_space<vmem>> -> memref<128xf32, #tpu.memory_space<vmem>>
    %dma_wait3A_436 = arith.constant 0 : i32
    %dma_wait3A_437 = tpu.memref_slice %arg6[%dma_wait3A_431, %dma_wait3A_436] : memref<32x128xi32, #tpu.memory_space<vmem>> -> memref<1x128xi32, #tpu.memory_space<vmem>>
    %dma_wait3A_438 = tpu.memref_squeeze %dma_wait3A_437 : memref<1x128xi32, #tpu.memory_space<vmem>> -> memref<128xi32, #tpu.memory_space<vmem>>
    %dma_wait3A_439 = arith.constant 0 : i32
    %dma_wait3A_440 = tpu.memref_slice %arg2[%dma_wait3A_439] : memref<131072xf32, #tpu.memory_space<hbm>> -> memref<131072xf32, #tpu.memory_space<hbm>>
    tpu.wait_indirect_dma semaphore(%arg9 : memref<!tpu.dma_semaphore, #tpu.memory_space<semaphore_mem>>) src(%dma_wait3A_440 : memref<131072xf32, #tpu.memory_space<hbm>>) dst(%dma_wait3A_435 : memref<128xf32, #tpu.memory_space<vmem>>)
    %dma_wait3A_441 = arith.constant 20 : i32
    %dma_wait3A_442 = arith.constant 20 : i32
    %dma_wait3A_443 = arith.constant 0 : i32
    %dma_wait3A_444 = tpu.memref_slice %arg8[%dma_wait3A_442, %dma_wait3A_443] : memref<32x128xf32, #tpu.memory_space<vmem>> -> memref<1x128xf32, #tpu.memory_space<vmem>>
    %dma_wait3A_445 = tpu.memref_squeeze %dma_wait3A_444 : memref<1x128xf32, #tpu.memory_space<vmem>> -> memref<128xf32, #tpu.memory_space<vmem>>
    %dma_wait3A_446 = arith.constant 0 : i32
    %dma_wait3A_447 = tpu.memref_slice %arg6[%dma_wait3A_441, %dma_wait3A_446] : memref<32x128xi32, #tpu.memory_space<vmem>> -> memref<1x128xi32, #tpu.memory_space<vmem>>
    %dma_wait3A_448 = tpu.memref_squeeze %dma_wait3A_447 : memref<1x128xi32, #tpu.memory_space<vmem>> -> memref<128xi32, #tpu.memory_space<vmem>>
    %dma_wait3A_449 = arith.constant 0 : i32
    %dma_wait3A_450 = tpu.memref_slice %arg2[%dma_wait3A_449] : memref<131072xf32, #tpu.memory_space<hbm>> -> memref<131072xf32, #tpu.memory_space<hbm>>
    tpu.wait_indirect_dma semaphore(%arg9 : memref<!tpu.dma_semaphore, #tpu.memory_space<semaphore_mem>>) src(%dma_wait3A_450 : memref<131072xf32, #tpu.memory_space<hbm>>) dst(%dma_wait3A_445 : memref<128xf32, #tpu.memory_space<vmem>>)
    %dma_wait3A_451 = arith.constant 21 : i32
    %dma_wait3A_452 = arith.constant 21 : i32
    %dma_wait3A_453 = arith.constant 0 : i32
    %dma_wait3A_454 = tpu.memref_slice %arg8[%dma_wait3A_452, %dma_wait3A_453] : memref<32x128xf32, #tpu.memory_space<vmem>> -> memref<1x128xf32, #tpu.memory_space<vmem>>
    %dma_wait3A_455 = tpu.memref_squeeze %dma_wait3A_454 : memref<1x128xf32, #tpu.memory_space<vmem>> -> memref<128xf32, #tpu.memory_space<vmem>>
    %dma_wait3A_456 = arith.constant 0 : i32
    %dma_wait3A_457 = tpu.memref_slice %arg6[%dma_wait3A_451, %dma_wait3A_456] : memref<32x128xi32, #tpu.memory_space<vmem>> -> memref<1x128xi32, #tpu.memory_space<vmem>>
    %dma_wait3A_458 = tpu.memref_squeeze %dma_wait3A_457 : memref<1x128xi32, #tpu.memory_space<vmem>> -> memref<128xi32, #tpu.memory_space<vmem>>
    %dma_wait3A_459 = arith.constant 0 : i32
    %dma_wait3A_460 = tpu.memref_slice %arg2[%dma_wait3A_459] : memref<131072xf32, #tpu.memory_space<hbm>> -> memref<131072xf32, #tpu.memory_space<hbm>>
    tpu.wait_indirect_dma semaphore(%arg9 : memref<!tpu.dma_semaphore, #tpu.memory_space<semaphore_mem>>) src(%dma_wait3A_460 : memref<131072xf32, #tpu.memory_space<hbm>>) dst(%dma_wait3A_455 : memref<128xf32, #tpu.memory_space<vmem>>)
    %dma_wait3A_461 = arith.constant 22 : i32
    %dma_wait3A_462 = arith.constant 22 : i32
    %dma_wait3A_463 = arith.constant 0 : i32
    %dma_wait3A_464 = tpu.memref_slice %arg8[%dma_wait3A_462, %dma_wait3A_463] : memref<32x128xf32, #tpu.memory_space<vmem>> -> memref<1x128xf32, #tpu.memory_space<vmem>>
    %dma_wait3A_465 = tpu.memref_squeeze %dma_wait3A_464 : memref<1x128xf32, #tpu.memory_space<vmem>> -> memref<128xf32, #tpu.memory_space<vmem>>
    %dma_wait3A_466 = arith.constant 0 : i32
    %dma_wait3A_467 = tpu.memref_slice %arg6[%dma_wait3A_461, %dma_wait3A_466] : memref<32x128xi32, #tpu.memory_space<vmem>> -> memref<1x128xi32, #tpu.memory_space<vmem>>
    %dma_wait3A_468 = tpu.memref_squeeze %dma_wait3A_467 : memref<1x128xi32, #tpu.memory_space<vmem>> -> memref<128xi32, #tpu.memory_space<vmem>>
    %dma_wait3A_469 = arith.constant 0 : i32
    %dma_wait3A_470 = tpu.memref_slice %arg2[%dma_wait3A_469] : memref<131072xf32, #tpu.memory_space<hbm>> -> memref<131072xf32, #tpu.memory_space<hbm>>
    tpu.wait_indirect_dma semaphore(%arg9 : memref<!tpu.dma_semaphore, #tpu.memory_space<semaphore_mem>>) src(%dma_wait3A_470 : memref<131072xf32, #tpu.memory_space<hbm>>) dst(%dma_wait3A_465 : memref<128xf32, #tpu.memory_space<vmem>>)
    %dma_wait3A_471 = arith.constant 23 : i32
    %dma_wait3A_472 = arith.constant 23 : i32
    %dma_wait3A_473 = arith.constant 0 : i32
    %dma_wait3A_474 = tpu.memref_slice %arg8[%dma_wait3A_472, %dma_wait3A_473] : memref<32x128xf32, #tpu.memory_space<vmem>> -> memref<1x128xf32, #tpu.memory_space<vmem>>
    %dma_wait3A_475 = tpu.memref_squeeze %dma_wait3A_474 : memref<1x128xf32, #tpu.memory_space<vmem>> -> memref<128xf32, #tpu.memory_space<vmem>>
    %dma_wait3A_476 = arith.constant 0 : i32
    %dma_wait3A_477 = tpu.memref_slice %arg6[%dma_wait3A_471, %dma_wait3A_476] : memref<32x128xi32, #tpu.memory_space<vmem>> -> memref<1x128xi32, #tpu.memory_space<vmem>>
    %dma_wait3A_478 = tpu.memref_squeeze %dma_wait3A_477 : memref<1x128xi32, #tpu.memory_space<vmem>> -> memref<128xi32, #tpu.memory_space<vmem>>
    %dma_wait3A_479 = arith.constant 0 : i32
    %dma_wait3A_480 = tpu.memref_slice %arg2[%dma_wait3A_479] : memref<131072xf32, #tpu.memory_space<hbm>> -> memref<131072xf32, #tpu.memory_space<hbm>>
    tpu.wait_indirect_dma semaphore(%arg9 : memref<!tpu.dma_semaphore, #tpu.memory_space<semaphore_mem>>) src(%dma_wait3A_480 : memref<131072xf32, #tpu.memory_space<hbm>>) dst(%dma_wait3A_475 : memref<128xf32, #tpu.memory_space<vmem>>)
    %dma_start3A_481 = arith.constant 24 : i32
    %dma_start3A_482 = arith.constant 24 : i32
    %dma_start3A_483 = arith.constant 0 : i32
    %dma_start3A_484 = tpu.memref_slice %arg8[%dma_start3A_482, %dma_start3A_483] : memref<32x128xf32, #tpu.memory_space<vmem>> -> memref<1x128xf32, #tpu.memory_space<vmem>>
    %dma_start3A_485 = tpu.memref_squeeze %dma_start3A_484 : memref<1x128xf32, #tpu.memory_space<vmem>> -> memref<128xf32, #tpu.memory_space<vmem>>
    %dma_start3A_486 = arith.constant 0 : i32
    %dma_start3A_487 = tpu.memref_slice %arg6[%dma_start3A_481, %dma_start3A_486] : memref<32x128xi32, #tpu.memory_space<vmem>> -> memref<1x128xi32, #tpu.memory_space<vmem>>
    %dma_start3A_488 = tpu.memref_squeeze %dma_start3A_487 : memref<1x128xi32, #tpu.memory_space<vmem>> -> memref<128xi32, #tpu.memory_space<vmem>>
    %dma_start3A_489 = arith.constant 0 : i32
    %dma_start3A_490 = tpu.memref_slice %arg2[%dma_start3A_489] : memref<131072xf32, #tpu.memory_space<hbm>> -> memref<131072xf32, #tpu.memory_space<hbm>>
    tpu.enqueue_indirect_dma source(%dma_start3A_490 : memref<131072xf32, #tpu.memory_space<hbm>>) target(%dma_start3A_485 : memref<128xf32, #tpu.memory_space<vmem>>) offsets(%dma_start3A_488 : memref<128xi32, #tpu.memory_space<vmem>>) semaphore(%arg9 : memref<!tpu.dma_semaphore, #tpu.memory_space<semaphore_mem>>)
    %dma_start3A_491 = arith.constant 25 : i32
    %dma_start3A_492 = arith.constant 25 : i32
    %dma_start3A_493 = arith.constant 0 : i32
    %dma_start3A_494 = tpu.memref_slice %arg8[%dma_start3A_492, %dma_start3A_493] : memref<32x128xf32, #tpu.memory_space<vmem>> -> memref<1x128xf32, #tpu.memory_space<vmem>>
    %dma_start3A_495 = tpu.memref_squeeze %dma_start3A_494 : memref<1x128xf32, #tpu.memory_space<vmem>> -> memref<128xf32, #tpu.memory_space<vmem>>
    %dma_start3A_496 = arith.constant 0 : i32
    %dma_start3A_497 = tpu.memref_slice %arg6[%dma_start3A_491, %dma_start3A_496] : memref<32x128xi32, #tpu.memory_space<vmem>> -> memref<1x128xi32, #tpu.memory_space<vmem>>
    %dma_start3A_498 = tpu.memref_squeeze %dma_start3A_497 : memref<1x128xi32, #tpu.memory_space<vmem>> -> memref<128xi32, #tpu.memory_space<vmem>>
    %dma_start3A_499 = arith.constant 0 : i32
    %dma_start3A_500 = tpu.memref_slice %arg2[%dma_start3A_499] : memref<131072xf32, #tpu.memory_space<hbm>> -> memref<131072xf32, #tpu.memory_space<hbm>>
    tpu.enqueue_indirect_dma source(%dma_start3A_500 : memref<131072xf32, #tpu.memory_space<hbm>>) target(%dma_start3A_495 : memref<128xf32, #tpu.memory_space<vmem>>) offsets(%dma_start3A_498 : memref<128xi32, #tpu.memory_space<vmem>>) semaphore(%arg9 : memref<!tpu.dma_semaphore, #tpu.memory_space<semaphore_mem>>)
    %dma_start3A_501 = arith.constant 26 : i32
    %dma_start3A_502 = arith.constant 26 : i32
    %dma_start3A_503 = arith.constant 0 : i32
    %dma_start3A_504 = tpu.memref_slice %arg8[%dma_start3A_502, %dma_start3A_503] : memref<32x128xf32, #tpu.memory_space<vmem>> -> memref<1x128xf32, #tpu.memory_space<vmem>>
    %dma_start3A_505 = tpu.memref_squeeze %dma_start3A_504 : memref<1x128xf32, #tpu.memory_space<vmem>> -> memref<128xf32, #tpu.memory_space<vmem>>
    %dma_start3A_506 = arith.constant 0 : i32
    %dma_start3A_507 = tpu.memref_slice %arg6[%dma_start3A_501, %dma_start3A_506] : memref<32x128xi32, #tpu.memory_space<vmem>> -> memref<1x128xi32, #tpu.memory_space<vmem>>
    %dma_start3A_508 = tpu.memref_squeeze %dma_start3A_507 : memref<1x128xi32, #tpu.memory_space<vmem>> -> memref<128xi32, #tpu.memory_space<vmem>>
    %dma_start3A_509 = arith.constant 0 : i32
    %dma_start3A_510 = tpu.memref_slice %arg2[%dma_start3A_509] : memref<131072xf32, #tpu.memory_space<hbm>> -> memref<131072xf32, #tpu.memory_space<hbm>>
    tpu.enqueue_indirect_dma source(%dma_start3A_510 : memref<131072xf32, #tpu.memory_space<hbm>>) target(%dma_start3A_505 : memref<128xf32, #tpu.memory_space<vmem>>) offsets(%dma_start3A_508 : memref<128xi32, #tpu.memory_space<vmem>>) semaphore(%arg9 : memref<!tpu.dma_semaphore, #tpu.memory_space<semaphore_mem>>)
    %dma_start3A_511 = arith.constant 27 : i32
    %dma_start3A_512 = arith.constant 27 : i32
    %dma_start3A_513 = arith.constant 0 : i32
    %dma_start3A_514 = tpu.memref_slice %arg8[%dma_start3A_512, %dma_start3A_513] : memref<32x128xf32, #tpu.memory_space<vmem>> -> memref<1x128xf32, #tpu.memory_space<vmem>>
    %dma_start3A_515 = tpu.memref_squeeze %dma_start3A_514 : memref<1x128xf32, #tpu.memory_space<vmem>> -> memref<128xf32, #tpu.memory_space<vmem>>
    %dma_start3A_516 = arith.constant 0 : i32
    %dma_start3A_517 = tpu.memref_slice %arg6[%dma_start3A_511, %dma_start3A_516] : memref<32x128xi32, #tpu.memory_space<vmem>> -> memref<1x128xi32, #tpu.memory_space<vmem>>
    %dma_start3A_518 = tpu.memref_squeeze %dma_start3A_517 : memref<1x128xi32, #tpu.memory_space<vmem>> -> memref<128xi32, #tpu.memory_space<vmem>>
    %dma_start3A_519 = arith.constant 0 : i32
    %dma_start3A_520 = tpu.memref_slice %arg2[%dma_start3A_519] : memref<131072xf32, #tpu.memory_space<hbm>> -> memref<131072xf32, #tpu.memory_space<hbm>>
    tpu.enqueue_indirect_dma source(%dma_start3A_520 : memref<131072xf32, #tpu.memory_space<hbm>>) target(%dma_start3A_515 : memref<128xf32, #tpu.memory_space<vmem>>) offsets(%dma_start3A_518 : memref<128xi32, #tpu.memory_space<vmem>>) semaphore(%arg9 : memref<!tpu.dma_semaphore, #tpu.memory_space<semaphore_mem>>)
    %dma_start3A_521 = arith.constant 28 : i32
    %dma_start3A_522 = arith.constant 28 : i32
    %dma_start3A_523 = arith.constant 0 : i32
    %dma_start3A_524 = tpu.memref_slice %arg8[%dma_start3A_522, %dma_start3A_523] : memref<32x128xf32, #tpu.memory_space<vmem>> -> memref<1x128xf32, #tpu.memory_space<vmem>>
    %dma_start3A_525 = tpu.memref_squeeze %dma_start3A_524 : memref<1x128xf32, #tpu.memory_space<vmem>> -> memref<128xf32, #tpu.memory_space<vmem>>
    %dma_start3A_526 = arith.constant 0 : i32
    %dma_start3A_527 = tpu.memref_slice %arg6[%dma_start3A_521, %dma_start3A_526] : memref<32x128xi32, #tpu.memory_space<vmem>> -> memref<1x128xi32, #tpu.memory_space<vmem>>
    %dma_start3A_528 = tpu.memref_squeeze %dma_start3A_527 : memref<1x128xi32, #tpu.memory_space<vmem>> -> memref<128xi32, #tpu.memory_space<vmem>>
    %dma_start3A_529 = arith.constant 0 : i32
    %dma_start3A_530 = tpu.memref_slice %arg2[%dma_start3A_529] : memref<131072xf32, #tpu.memory_space<hbm>> -> memref<131072xf32, #tpu.memory_space<hbm>>
    tpu.enqueue_indirect_dma source(%dma_start3A_530 : memref<131072xf32, #tpu.memory_space<hbm>>) target(%dma_start3A_525 : memref<128xf32, #tpu.memory_space<vmem>>) offsets(%dma_start3A_528 : memref<128xi32, #tpu.memory_space<vmem>>) semaphore(%arg9 : memref<!tpu.dma_semaphore, #tpu.memory_space<semaphore_mem>>)
    %dma_start3A_531 = arith.constant 29 : i32
    %dma_start3A_532 = arith.constant 29 : i32
    %dma_start3A_533 = arith.constant 0 : i32
    %dma_start3A_534 = tpu.memref_slice %arg8[%dma_start3A_532, %dma_start3A_533] : memref<32x128xf32, #tpu.memory_space<vmem>> -> memref<1x128xf32, #tpu.memory_space<vmem>>
    %dma_start3A_535 = tpu.memref_squeeze %dma_start3A_534 : memref<1x128xf32, #tpu.memory_space<vmem>> -> memref<128xf32, #tpu.memory_space<vmem>>
    %dma_start3A_536 = arith.constant 0 : i32
    %dma_start3A_537 = tpu.memref_slice %arg6[%dma_start3A_531, %dma_start3A_536] : memref<32x128xi32, #tpu.memory_space<vmem>> -> memref<1x128xi32, #tpu.memory_space<vmem>>
    %dma_start3A_538 = tpu.memref_squeeze %dma_start3A_537 : memref<1x128xi32, #tpu.memory_space<vmem>> -> memref<128xi32, #tpu.memory_space<vmem>>
    %dma_start3A_539 = arith.constant 0 : i32
    %dma_start3A_540 = tpu.memref_slice %arg2[%dma_start3A_539] : memref<131072xf32, #tpu.memory_space<hbm>> -> memref<131072xf32, #tpu.memory_space<hbm>>
    tpu.enqueue_indirect_dma source(%dma_start3A_540 : memref<131072xf32, #tpu.memory_space<hbm>>) target(%dma_start3A_535 : memref<128xf32, #tpu.memory_space<vmem>>) offsets(%dma_start3A_538 : memref<128xi32, #tpu.memory_space<vmem>>) semaphore(%arg9 : memref<!tpu.dma_semaphore, #tpu.memory_space<semaphore_mem>>)
    %dma_start3A_541 = arith.constant 30 : i32
    %dma_start3A_542 = arith.constant 30 : i32
    %dma_start3A_543 = arith.constant 0 : i32
    %dma_start3A_544 = tpu.memref_slice %arg8[%dma_start3A_542, %dma_start3A_543] : memref<32x128xf32, #tpu.memory_space<vmem>> -> memref<1x128xf32, #tpu.memory_space<vmem>>
    %dma_start3A_545 = tpu.memref_squeeze %dma_start3A_544 : memref<1x128xf32, #tpu.memory_space<vmem>> -> memref<128xf32, #tpu.memory_space<vmem>>
    %dma_start3A_546 = arith.constant 0 : i32
    %dma_start3A_547 = tpu.memref_slice %arg6[%dma_start3A_541, %dma_start3A_546] : memref<32x128xi32, #tpu.memory_space<vmem>> -> memref<1x128xi32, #tpu.memory_space<vmem>>
    %dma_start3A_548 = tpu.memref_squeeze %dma_start3A_547 : memref<1x128xi32, #tpu.memory_space<vmem>> -> memref<128xi32, #tpu.memory_space<vmem>>
    %dma_start3A_549 = arith.constant 0 : i32
    %dma_start3A_550 = tpu.memref_slice %arg2[%dma_start3A_549] : memref<131072xf32, #tpu.memory_space<hbm>> -> memref<131072xf32, #tpu.memory_space<hbm>>
    tpu.enqueue_indirect_dma source(%dma_start3A_550 : memref<131072xf32, #tpu.memory_space<hbm>>) target(%dma_start3A_545 : memref<128xf32, #tpu.memory_space<vmem>>) offsets(%dma_start3A_548 : memref<128xi32, #tpu.memory_space<vmem>>) semaphore(%arg9 : memref<!tpu.dma_semaphore, #tpu.memory_space<semaphore_mem>>)
    %dma_start3A_551 = arith.constant 31 : i32
    %dma_start3A_552 = arith.constant 31 : i32
    %dma_start3A_553 = arith.constant 0 : i32
    %dma_start3A_554 = tpu.memref_slice %arg8[%dma_start3A_552, %dma_start3A_553] : memref<32x128xf32, #tpu.memory_space<vmem>> -> memref<1x128xf32, #tpu.memory_space<vmem>>
    %dma_start3A_555 = tpu.memref_squeeze %dma_start3A_554 : memref<1x128xf32, #tpu.memory_space<vmem>> -> memref<128xf32, #tpu.memory_space<vmem>>
    %dma_start3A_556 = arith.constant 0 : i32
    %dma_start3A_557 = tpu.memref_slice %arg6[%dma_start3A_551, %dma_start3A_556] : memref<32x128xi32, #tpu.memory_space<vmem>> -> memref<1x128xi32, #tpu.memory_space<vmem>>
    %dma_start3A_558 = tpu.memref_squeeze %dma_start3A_557 : memref<1x128xi32, #tpu.memory_space<vmem>> -> memref<128xi32, #tpu.memory_space<vmem>>
    %dma_start3A_559 = arith.constant 0 : i32
    %dma_start3A_560 = tpu.memref_slice %arg2[%dma_start3A_559] : memref<131072xf32, #tpu.memory_space<hbm>> -> memref<131072xf32, #tpu.memory_space<hbm>>
    tpu.enqueue_indirect_dma source(%dma_start3A_560 : memref<131072xf32, #tpu.memory_space<hbm>>) target(%dma_start3A_555 : memref<128xf32, #tpu.memory_space<vmem>>) offsets(%dma_start3A_558 : memref<128xi32, #tpu.memory_space<vmem>>) semaphore(%arg9 : memref<!tpu.dma_semaphore, #tpu.memory_space<semaphore_mem>>)
    %dma_wait3A_561 = arith.constant 24 : i32
    %dma_wait3A_562 = arith.constant 24 : i32
    %dma_wait3A_563 = arith.constant 0 : i32
    %dma_wait3A_564 = tpu.memref_slice %arg8[%dma_wait3A_562, %dma_wait3A_563] : memref<32x128xf32, #tpu.memory_space<vmem>> -> memref<1x128xf32, #tpu.memory_space<vmem>>
    %dma_wait3A_565 = tpu.memref_squeeze %dma_wait3A_564 : memref<1x128xf32, #tpu.memory_space<vmem>> -> memref<128xf32, #tpu.memory_space<vmem>>
    %dma_wait3A_566 = arith.constant 0 : i32
    %dma_wait3A_567 = tpu.memref_slice %arg6[%dma_wait3A_561, %dma_wait3A_566] : memref<32x128xi32, #tpu.memory_space<vmem>> -> memref<1x128xi32, #tpu.memory_space<vmem>>
    %dma_wait3A_568 = tpu.memref_squeeze %dma_wait3A_567 : memref<1x128xi32, #tpu.memory_space<vmem>> -> memref<128xi32, #tpu.memory_space<vmem>>
    %dma_wait3A_569 = arith.constant 0 : i32
    %dma_wait3A_570 = tpu.memref_slice %arg2[%dma_wait3A_569] : memref<131072xf32, #tpu.memory_space<hbm>> -> memref<131072xf32, #tpu.memory_space<hbm>>
    tpu.wait_indirect_dma semaphore(%arg9 : memref<!tpu.dma_semaphore, #tpu.memory_space<semaphore_mem>>) src(%dma_wait3A_570 : memref<131072xf32, #tpu.memory_space<hbm>>) dst(%dma_wait3A_565 : memref<128xf32, #tpu.memory_space<vmem>>)
    %dma_wait3A_571 = arith.constant 25 : i32
    %dma_wait3A_572 = arith.constant 25 : i32
    %dma_wait3A_573 = arith.constant 0 : i32
    %dma_wait3A_574 = tpu.memref_slice %arg8[%dma_wait3A_572, %dma_wait3A_573] : memref<32x128xf32, #tpu.memory_space<vmem>> -> memref<1x128xf32, #tpu.memory_space<vmem>>
    %dma_wait3A_575 = tpu.memref_squeeze %dma_wait3A_574 : memref<1x128xf32, #tpu.memory_space<vmem>> -> memref<128xf32, #tpu.memory_space<vmem>>
    %dma_wait3A_576 = arith.constant 0 : i32
    %dma_wait3A_577 = tpu.memref_slice %arg6[%dma_wait3A_571, %dma_wait3A_576] : memref<32x128xi32, #tpu.memory_space<vmem>> -> memref<1x128xi32, #tpu.memory_space<vmem>>
    %dma_wait3A_578 = tpu.memref_squeeze %dma_wait3A_577 : memref<1x128xi32, #tpu.memory_space<vmem>> -> memref<128xi32, #tpu.memory_space<vmem>>
    %dma_wait3A_579 = arith.constant 0 : i32
    %dma_wait3A_580 = tpu.memref_slice %arg2[%dma_wait3A_579] : memref<131072xf32, #tpu.memory_space<hbm>> -> memref<131072xf32, #tpu.memory_space<hbm>>
    tpu.wait_indirect_dma semaphore(%arg9 : memref<!tpu.dma_semaphore, #tpu.memory_space<semaphore_mem>>) src(%dma_wait3A_580 : memref<131072xf32, #tpu.memory_space<hbm>>) dst(%dma_wait3A_575 : memref<128xf32, #tpu.memory_space<vmem>>)
    %dma_wait3A_581 = arith.constant 26 : i32
    %dma_wait3A_582 = arith.constant 26 : i32
    %dma_wait3A_583 = arith.constant 0 : i32
    %dma_wait3A_584 = tpu.memref_slice %arg8[%dma_wait3A_582, %dma_wait3A_583] : memref<32x128xf32, #tpu.memory_space<vmem>> -> memref<1x128xf32, #tpu.memory_space<vmem>>
    %dma_wait3A_585 = tpu.memref_squeeze %dma_wait3A_584 : memref<1x128xf32, #tpu.memory_space<vmem>> -> memref<128xf32, #tpu.memory_space<vmem>>
    %dma_wait3A_586 = arith.constant 0 : i32
    %dma_wait3A_587 = tpu.memref_slice %arg6[%dma_wait3A_581, %dma_wait3A_586] : memref<32x128xi32, #tpu.memory_space<vmem>> -> memref<1x128xi32, #tpu.memory_space<vmem>>
    %dma_wait3A_588 = tpu.memref_squeeze %dma_wait3A_587 : memref<1x128xi32, #tpu.memory_space<vmem>> -> memref<128xi32, #tpu.memory_space<vmem>>
    %dma_wait3A_589 = arith.constant 0 : i32
    %dma_wait3A_590 = tpu.memref_slice %arg2[%dma_wait3A_589] : memref<131072xf32, #tpu.memory_space<hbm>> -> memref<131072xf32, #tpu.memory_space<hbm>>
    tpu.wait_indirect_dma semaphore(%arg9 : memref<!tpu.dma_semaphore, #tpu.memory_space<semaphore_mem>>) src(%dma_wait3A_590 : memref<131072xf32, #tpu.memory_space<hbm>>) dst(%dma_wait3A_585 : memref<128xf32, #tpu.memory_space<vmem>>)
    %dma_wait3A_591 = arith.constant 27 : i32
    %dma_wait3A_592 = arith.constant 27 : i32
    %dma_wait3A_593 = arith.constant 0 : i32
    %dma_wait3A_594 = tpu.memref_slice %arg8[%dma_wait3A_592, %dma_wait3A_593] : memref<32x128xf32, #tpu.memory_space<vmem>> -> memref<1x128xf32, #tpu.memory_space<vmem>>
    %dma_wait3A_595 = tpu.memref_squeeze %dma_wait3A_594 : memref<1x128xf32, #tpu.memory_space<vmem>> -> memref<128xf32, #tpu.memory_space<vmem>>
    %dma_wait3A_596 = arith.constant 0 : i32
    %dma_wait3A_597 = tpu.memref_slice %arg6[%dma_wait3A_591, %dma_wait3A_596] : memref<32x128xi32, #tpu.memory_space<vmem>> -> memref<1x128xi32, #tpu.memory_space<vmem>>
    %dma_wait3A_598 = tpu.memref_squeeze %dma_wait3A_597 : memref<1x128xi32, #tpu.memory_space<vmem>> -> memref<128xi32, #tpu.memory_space<vmem>>
    %dma_wait3A_599 = arith.constant 0 : i32
    %dma_wait3A_600 = tpu.memref_slice %arg2[%dma_wait3A_599] : memref<131072xf32, #tpu.memory_space<hbm>> -> memref<131072xf32, #tpu.memory_space<hbm>>
    tpu.wait_indirect_dma semaphore(%arg9 : memref<!tpu.dma_semaphore, #tpu.memory_space<semaphore_mem>>) src(%dma_wait3A_600 : memref<131072xf32, #tpu.memory_space<hbm>>) dst(%dma_wait3A_595 : memref<128xf32, #tpu.memory_space<vmem>>)
    %dma_wait3A_601 = arith.constant 28 : i32
    %dma_wait3A_602 = arith.constant 28 : i32
    %dma_wait3A_603 = arith.constant 0 : i32
    %dma_wait3A_604 = tpu.memref_slice %arg8[%dma_wait3A_602, %dma_wait3A_603] : memref<32x128xf32, #tpu.memory_space<vmem>> -> memref<1x128xf32, #tpu.memory_space<vmem>>
    %dma_wait3A_605 = tpu.memref_squeeze %dma_wait3A_604 : memref<1x128xf32, #tpu.memory_space<vmem>> -> memref<128xf32, #tpu.memory_space<vmem>>
    %dma_wait3A_606 = arith.constant 0 : i32
    %dma_wait3A_607 = tpu.memref_slice %arg6[%dma_wait3A_601, %dma_wait3A_606] : memref<32x128xi32, #tpu.memory_space<vmem>> -> memref<1x128xi32, #tpu.memory_space<vmem>>
    %dma_wait3A_608 = tpu.memref_squeeze %dma_wait3A_607 : memref<1x128xi32, #tpu.memory_space<vmem>> -> memref<128xi32, #tpu.memory_space<vmem>>
    %dma_wait3A_609 = arith.constant 0 : i32
    %dma_wait3A_610 = tpu.memref_slice %arg2[%dma_wait3A_609] : memref<131072xf32, #tpu.memory_space<hbm>> -> memref<131072xf32, #tpu.memory_space<hbm>>
    tpu.wait_indirect_dma semaphore(%arg9 : memref<!tpu.dma_semaphore, #tpu.memory_space<semaphore_mem>>) src(%dma_wait3A_610 : memref<131072xf32, #tpu.memory_space<hbm>>) dst(%dma_wait3A_605 : memref<128xf32, #tpu.memory_space<vmem>>)
    %dma_wait3A_611 = arith.constant 29 : i32
    %dma_wait3A_612 = arith.constant 29 : i32
    %dma_wait3A_613 = arith.constant 0 : i32
    %dma_wait3A_614 = tpu.memref_slice %arg8[%dma_wait3A_612, %dma_wait3A_613] : memref<32x128xf32, #tpu.memory_space<vmem>> -> memref<1x128xf32, #tpu.memory_space<vmem>>
    %dma_wait3A_615 = tpu.memref_squeeze %dma_wait3A_614 : memref<1x128xf32, #tpu.memory_space<vmem>> -> memref<128xf32, #tpu.memory_space<vmem>>
    %dma_wait3A_616 = arith.constant 0 : i32
    %dma_wait3A_617 = tpu.memref_slice %arg6[%dma_wait3A_611, %dma_wait3A_616] : memref<32x128xi32, #tpu.memory_space<vmem>> -> memref<1x128xi32, #tpu.memory_space<vmem>>
    %dma_wait3A_618 = tpu.memref_squeeze %dma_wait3A_617 : memref<1x128xi32, #tpu.memory_space<vmem>> -> memref<128xi32, #tpu.memory_space<vmem>>
    %dma_wait3A_619 = arith.constant 0 : i32
    %dma_wait3A_620 = tpu.memref_slice %arg2[%dma_wait3A_619] : memref<131072xf32, #tpu.memory_space<hbm>> -> memref<131072xf32, #tpu.memory_space<hbm>>
    tpu.wait_indirect_dma semaphore(%arg9 : memref<!tpu.dma_semaphore, #tpu.memory_space<semaphore_mem>>) src(%dma_wait3A_620 : memref<131072xf32, #tpu.memory_space<hbm>>) dst(%dma_wait3A_615 : memref<128xf32, #tpu.memory_space<vmem>>)
    %dma_wait3A_621 = arith.constant 30 : i32
    %dma_wait3A_622 = arith.constant 30 : i32
    %dma_wait3A_623 = arith.constant 0 : i32
    %dma_wait3A_624 = tpu.memref_slice %arg8[%dma_wait3A_622, %dma_wait3A_623] : memref<32x128xf32, #tpu.memory_space<vmem>> -> memref<1x128xf32, #tpu.memory_space<vmem>>
    %dma_wait3A_625 = tpu.memref_squeeze %dma_wait3A_624 : memref<1x128xf32, #tpu.memory_space<vmem>> -> memref<128xf32, #tpu.memory_space<vmem>>
    %dma_wait3A_626 = arith.constant 0 : i32
    %dma_wait3A_627 = tpu.memref_slice %arg6[%dma_wait3A_621, %dma_wait3A_626] : memref<32x128xi32, #tpu.memory_space<vmem>> -> memref<1x128xi32, #tpu.memory_space<vmem>>
    %dma_wait3A_628 = tpu.memref_squeeze %dma_wait3A_627 : memref<1x128xi32, #tpu.memory_space<vmem>> -> memref<128xi32, #tpu.memory_space<vmem>>
    %dma_wait3A_629 = arith.constant 0 : i32
    %dma_wait3A_630 = tpu.memref_slice %arg2[%dma_wait3A_629] : memref<131072xf32, #tpu.memory_space<hbm>> -> memref<131072xf32, #tpu.memory_space<hbm>>
    tpu.wait_indirect_dma semaphore(%arg9 : memref<!tpu.dma_semaphore, #tpu.memory_space<semaphore_mem>>) src(%dma_wait3A_630 : memref<131072xf32, #tpu.memory_space<hbm>>) dst(%dma_wait3A_625 : memref<128xf32, #tpu.memory_space<vmem>>)
    %dma_wait3A_631 = arith.constant 31 : i32
    %dma_wait3A_632 = arith.constant 31 : i32
    %dma_wait3A_633 = arith.constant 0 : i32
    %dma_wait3A_634 = tpu.memref_slice %arg8[%dma_wait3A_632, %dma_wait3A_633] : memref<32x128xf32, #tpu.memory_space<vmem>> -> memref<1x128xf32, #tpu.memory_space<vmem>>
    %dma_wait3A_635 = tpu.memref_squeeze %dma_wait3A_634 : memref<1x128xf32, #tpu.memory_space<vmem>> -> memref<128xf32, #tpu.memory_space<vmem>>
    %dma_wait3A_636 = arith.constant 0 : i32
    %dma_wait3A_637 = tpu.memref_slice %arg6[%dma_wait3A_631, %dma_wait3A_636] : memref<32x128xi32, #tpu.memory_space<vmem>> -> memref<1x128xi32, #tpu.memory_space<vmem>>
    %dma_wait3A_638 = tpu.memref_squeeze %dma_wait3A_637 : memref<1x128xi32, #tpu.memory_space<vmem>> -> memref<128xi32, #tpu.memory_space<vmem>>
    %dma_wait3A_639 = arith.constant 0 : i32
    %dma_wait3A_640 = tpu.memref_slice %arg2[%dma_wait3A_639] : memref<131072xf32, #tpu.memory_space<hbm>> -> memref<131072xf32, #tpu.memory_space<hbm>>
    tpu.wait_indirect_dma semaphore(%arg9 : memref<!tpu.dma_semaphore, #tpu.memory_space<semaphore_mem>>) src(%dma_wait3A_640 : memref<131072xf32, #tpu.memory_space<hbm>>) dst(%dma_wait3A_635 : memref<128xf32, #tpu.memory_space<vmem>>)
    %scan3A = arith.constant 0 : i32
    %scan3A_641 = arith.constant 0 : i32
    %scan3A_642 = arith.constant 32 : i32
    %scan3A_643 = arith.addi %scan3A_641, %scan3A_642 : i32
    %scan3A_644 = arith.constant 1 : i32
    scf.for %scan3A_646 = %scan3A_641 to %scan3A_643 step %scan3A_644  : i32 {
      %scan3A_647 = arith.constant 0 : i32
      %scan3A_648 = arith.constant 8 : i32
      %scan3A_649 = arith.addi %scan3A_647, %scan3A_648 : i32
      %scan3A_650 = arith.constant 1 : i32
      scf.for %scan3A_652 = %scan3A_647 to %scan3A_649 step %scan3A_650  : i32 {
        %mul3A_653 = arith.constant 16 : i32
        %mul3A_654 = arith.muli %scan3A_652, %mul3A_653 : i32
        %get3A = arith.index_cast %scan3A_646 : i32 to index
        %get3A_655 = arith.index_cast %mul3A_654 : i32 to index
        %get3A_656 = tpu.vector_load %arg7[%get3A, %get3A_655] {strides = array<i32>} : memref<32x128xf32, #tpu.memory_space<vmem>>, vector<1x16xf32>,
        %get3A_657 = vector.shape_cast %get3A_656 : vector<1x16xf32> to vector<16xf32>
        %get3A_658 = arith.index_cast %scan3A_646 : i32 to index
        %get3A_659 = arith.index_cast %mul3A_654 : i32 to index
        %get3A_660 = tpu.vector_load %arg8[%get3A_658, %get3A_659] {strides = array<i32>} : memref<32x128xf32, #tpu.memory_space<vmem>>, vector<1x16xf32>,
        %get3A_661 = vector.shape_cast %get3A_660 : vector<1x16xf32> to vector<16xf32>
        %add3A_662 = arith.addf %get3A_657, %get3A_661 : vector<16xf32>
        %swap3A = arith.index_cast %scan3A_646 : i32 to index
        %swap3A_663 = arith.index_cast %mul3A_654 : i32 to index
        %swap3A_664 = tpu.vector_load %arg7[%swap3A, %swap3A_663] {strides = array<i32>} : memref<32x128xf32, #tpu.memory_space<vmem>>, vector<1x16xf32>,
        %swap3A_665 = vector.shape_cast %swap3A_664 : vector<1x16xf32> to vector<16xf32>
        %swap3A_666 = vector.shape_cast %add3A_662 : vector<16xf32> to vector<1x16xf32>
        tpu.vector_store %arg7[%swap3A, %swap3A_663], %swap3A_666 {strides = array<i32>} : memref<32x128xf32, #tpu.memory_space<vmem>>, vector<1x16xf32>,
      }
      %scan3A_651 = arith.constant 8 : i32
    }
    %scan3A_645 = arith.constant 32 : i32
    "tpu.region"() ({
      %run_scoped3A = tpu.sem_alloc : memref<!tpu.dma_semaphore, #tpu.memory_space<semaphore_mem>>
      %dma_start3A_646 = arith.constant 0 : i32
      %dma_start3A_647 = tpu.memref_slice %arg5[%mul3A_2, %dma_start3A_646] : memref<1024x128xf32, #tpu.memory_space<hbm>> -> memref<32x128xf32, #tpu.memory_space<hbm>>
      %dma_start3A_648 = arith.constant 0 : i32
      %dma_start3A_649 = tpu.memref_slice %arg5[%mul3A_2, %dma_start3A_648] : memref<1024x128xf32, #tpu.memory_space<hbm>> -> memref<32x128xf32, #tpu.memory_space<hbm>>
      tpu.enqueue_dma source(%arg7 : memref<32x128xf32, #tpu.memory_space<vmem>>) target(%dma_start3A_649 : memref<32x128xf32, #tpu.memory_space<hbm>>) target_semaphore(%run_scoped3A : memref<!tpu.dma_semaphore, #tpu.memory_space<semaphore_mem>>)
      %dma_wait3A_650 = arith.constant 0 : i32
      %dma_wait3A_651 = tpu.memref_slice %arg5[%mul3A_2, %dma_wait3A_650] : memref<1024x128xf32, #tpu.memory_space<hbm>> -> memref<32x128xf32, #tpu.memory_space<hbm>>
      %dma_wait3A_652 = arith.constant 0 : i32
      %dma_wait3A_653 = tpu.memref_slice %arg5[%mul3A_2, %dma_wait3A_652] : memref<1024x128xf32, #tpu.memory_space<hbm>> -> memref<32x128xf32, #tpu.memory_space<hbm>>
      tpu.wait_dma2 semaphore(%run_scoped3A : memref<!tpu.dma_semaphore, #tpu.memory_space<semaphore_mem>>) src(%arg7 : memref<32x128xf32, #tpu.memory_space<vmem>>) dst(%dma_wait3A_653 : memref<32x128xf32, #tpu.memory_space<hbm>>)
      tpu.yield
    }) : () -> ()
    return
  }
}

module attributes {stable_mosaic.version = 14 : i64} {
  func.func @_noise_body(%arg0: memref<1024x128xf32, #tpu.memory_space<vmem>>, %arg1: memref<1024x128xf32, #tpu.memory_space<vmem>>, %arg2: memref<1024x128xf32, #tpu.memory_space<vmem>>) attributes {dimension_semantics = [], scalar_prefetch = 0 : i64, scratch_operands = 0 : i64, tpu.core_type = #tpu.core_type<tc>} {
    %get3A = arith.constant 0 : index
    %get3A_0 = arith.constant 0 : index
    %get3A_1 = vector.load %arg0[%get3A, %get3A_0] : memref<1024x128xf32, #tpu.memory_space<vmem>>, vector<1024x128xf32>
    %get3A_2 = arith.constant 0 : index
    %get3A_3 = arith.constant 0 : index
    %get3A_4 = vector.load %arg1[%get3A_2, %get3A_3] : memref<1024x128xf32, #tpu.memory_space<vmem>>, vector<1024x128xf32>
    %sub3A = arith.subf %get3A_1, %get3A_4 : vector<1024x128xf32>
    %swap3A = arith.constant 0 : index
    %swap3A_5 = arith.constant 0 : index
    %swap3A_6 = vector.load %arg2[%swap3A, %swap3A_5] : memref<1024x128xf32, #tpu.memory_space<vmem>>, vector<1024x128xf32>
    tpu.vector_store %arg2[%swap3A, %swap3A_5], %sub3A {strides = array<i32>} : memref<1024x128xf32, #tpu.memory_space<vmem>>, vector<1024x128xf32>,
    return
  }
}

module attributes {stable_mosaic.version = 14 : i64} {
  func.func @_assemble_body(%arg0: i32, %arg1: memref<8x131072xf32, #tpu.memory_space<vmem>>, %arg2: memref<1x131072xf32, #tpu.memory_space<vmem>>, %arg3: memref<8x131072xf32, #tpu.memory_space<vmem>>) attributes {dimension_semantics = [#tpu.dimension_semantics<arbitrary>], iteration_bounds = array<i64: 4>, scalar_prefetch = 0 : i64, scratch_operands = 0 : i64, tpu.core_type = #tpu.core_type<tc>, window_params = [{transform_indices = @transform_0, window_bounds = array<i64: 8, 131072>}, {pipeline_mode = #tpu.pipeline_mode<synchronous>, transform_indices = @transform_1, window_bounds = array<i64: 1, 131072>}, {transform_indices = @transform_2, window_bounds = array<i64: 8, 131072>}]} {
    %mul3A = arith.constant 8 : i32
    %mul3A_0 = arith.muli %arg0, %mul3A : i32
    %iota3A = tpu.iota {dimensions = array<i32: 0>} : vector<8x131072xi32>
    %add3A = vector.broadcast %mul3A_0 : i32 to vector<8x131072xi32>
    %add3A_1 = arith.addi %add3A, %iota3A : vector<8x131072xi32>
    %eq3A = arith.constant 31 : i32
    %eq3A_2 = vector.broadcast %eq3A : i32 to vector<8x131072xi32>
    %eq3A_3 = arith.cmpi eq, %add3A_1, %eq3A_2 : vector<8x131072xi32>
    %get3A = arith.constant 0 : index
    %get3A_4 = arith.constant 0 : index
    %get3A_5 = vector.load %arg2[%get3A, %get3A_4] : memref<1x131072xf32, #tpu.memory_space<vmem>>, vector<1x131072xf32>
    %get3A_6 = arith.constant 0 : index
    %get3A_7 = arith.constant 0 : index
    %get3A_8 = vector.load %arg1[%get3A_6, %get3A_7] : memref<8x131072xf32, #tpu.memory_space<vmem>>, vector<8x131072xf32>
    %broadcast_in_dim3A = vector.shape_cast %get3A_5 : vector<1x131072xf32> to vector<1x131072xf32>
    %broadcast_in_dim3A_9 = vector.broadcast %broadcast_in_dim3A : vector<1x131072xf32> to vector<8x131072xf32>
    %select_n3A = arith.select %eq3A_3, %broadcast_in_dim3A_9, %get3A_8 : vector<8x131072xi1>, vector<8x131072xf32>
    %swap3A = arith.constant 0 : index
    %swap3A_10 = arith.constant 0 : index
    %swap3A_11 = vector.load %arg3[%swap3A, %swap3A_10] : memref<8x131072xf32, #tpu.memory_space<vmem>>, vector<8x131072xf32>
    tpu.vector_store %arg3[%swap3A, %swap3A_10], %select_n3A {strides = array<i32>} : memref<8x131072xf32, #tpu.memory_space<vmem>>, vector<8x131072xf32>,
    return
  }
  func.func @transform_0(%arg0: i32) -> (i32, i32) {
    %c0_i32 = arith.constant 0 : i32
    %c0_i32_0 = arith.constant 0 : i32
    return %arg0, %c0_i32 : i32, i32
  }
  func.func @transform_1(%arg0: i32) -> (i32, i32) {
    %c0_i32 = arith.constant 0 : i32
    %c0_i32_0 = arith.constant 0 : i32
    %c0_i32_1 = arith.constant 0 : i32
    return %c0_i32, %c0_i32_0 : i32, i32
  }
  func.func @transform_2(%arg0: i32) -> (i32, i32) {
    %c0_i32 = arith.constant 0 : i32
    %c0_i32_0 = arith.constant 0 : i32
    return %arg0, %c0_i32 : i32, i32
  }
}

</mosaic_0001>

<sc_bundles>
// kernel: kernel.5.cloned.1.call-start
scs
__scs_entry_jumppad:
0x0: {  	(pc) =	sbr.rel $0x88, $3  }
0x1: {  	(tag) =	ssettag $0x0;
	lr =	simm.s32 $0x1  }
0x2: {  	[smem:$0x3F9F] =	sst lr;
	_ =	strace $0xD0000000  }
0x3: {  	_ = 	snop  }
0x4: {  	_ = 	snop  }
0x5: {  	_ = 	snop  }
0x6: {  	_ = 	snop  }
0x7: {  	_ = 	snop  }
__scs_overlays_trampoline_lowered:
0x8: {  	[smem:$0x3FAE] =	sst s0  }
0x9: {  	[smem:$0x3FAF] =	sst s1  }
0xa: {  	[smem:$0x3FB0] =	sst s2  }
0xb: {  	[smem:$0x3FB1] =	sst s3  }
0xc: {  	[smem:$0x3FB2] =	sst s4  }
0xd: {  	[smem:$0x3FB3] =	sst s5  }
0xe: {  	[smem:$0x3FB4] =	sst s6  }
0xf: {  	[smem:$0x3FB5] =	sst s7  }
0x10: {  	[smem:$0x3FB6] =	sst s8  }
0x11: {  	[smem:$0x3FB7] =	sst s9;
	s0 =	simm.s32 @!p0 $0x0  }
0x12: {  	s1 =	sld [smem:$0x3F9D];
	s0 =	simm.s32 @p0 $0x1  }
0x13: {  	[smem:$0x3FB8] =	sst s0;
	s0 =	simm.s32 @!p1 $0x0  }
0x14: {  	s2 =	sld [smem:$0x3F9C];
	s0 =	simm.s32 @p1 $0x1  }
0x15: {  	[smem:$0x3FB9] =	sst s0;
	s0 =	simm.s32 @!p2 $0x0  }
0x16: {  	s3 =	sld [smem:$0x3FDB];
	s0 =	simm.s32 @p2 $0x1  }
0x17: {  	s4 =	simm.s32 $0x1BF5;
	[smem:$0x3FBB] =	sst s0  }
0x18: {  	s0 =	sld [smem:$0x3F9E];
	_ =	swait.ge [sflag:s4], $0x0  }
0x19: {  	s7 =	sld [smem:$0x3F9F]  }
0x1a: {  	s8 =	sadd.s32 $0xFFFFE003, lr  }
0x1b: {  	s9 =	sadd.s32 $0xFFFFFEF7, lr;
	s5 =	simm.s32 $0xFFFFFFFF;
	p2 =	slt.u32 s8, $0xFFFFF086  }
0x1c: {  	p1 =	slt.u32 s9, $0xF7A;
	s5 =	simm.s32 @!p2 $0x0  }
0x1d: {  	s5 =	simm.s32 @p1 $0x1;
	p0 =	seq.s32 s7, s2  }
0x1e: {  	s7 =	smul.u32 @!p0 $0xF7A, s2;
	p2 =	seq.s32 @!p0 s5, $0x0  }
0x1f: {  	s9 =	smul.u32 $0xF7A, s1;
	s8 =	simm.s32 @!p0 $0x1BF5;
	p2 =	por !p2, p0  }
0x20: {  	[sflag:s8] =	ssyncset.s32 @!p0 $0xFFFFF086;
	s6 =	sadd.s32 @!p0 s3, s7;
	s7 =	simm.s32 @!p0 $0x108  }
0x21: {  	s3 =	sadd.s32 s3, s9;
	s6 =	sadd.s32 @!p0 $0x88, s6;
	s7 =	simm.s32 @p2 $0x1082  }
0x22: {  	[simem:s7], [sflag:s8] =	dma.local @!p0 [hbm:s6], $0xF7A  }
0x23: {  	s9 =	sor.u32 $0xD0000000, s2;
	s6 =	simm.s32 $0x108;
	_ =	swait.ge @!p0 [sflag:s8], $0x0  }
0x24: {  	s3 =	sadd.s32 $0x88, s3;
	s6 =	simm.s32 @!p1 $0x1082;
	[sflag:s4] =	ssyncset.s32 $0xFFFFF086  }
0x25: {  	[simem:s6], [sflag:s4] =	dma.local [hbm:s3], $0xF7A  }
0x26: {  	[smem:$0x3F9F] =	sst s1;
	(tag) =	ssettag s2;
	_ =	strace s9  }
0x27: {  	s1 =	sld [smem:$0x3FAF]  }
0x28: {  	s2 =	sld [smem:$0x3FB0]  }
0x29: {  	s4 =	sld [smem:$0x3FB2]  }
0x2a: {  	p0 =	seq.s32 s5, $0x0;
	s5 =	sld [smem:$0x3FB3]  }
0x2b: {  	s6 =	sld [smem:$0x3FB4]  }
0x2c: {  	s7 =	sld [smem:$0x3FB5]  }
0x2d: {  	s3 =	simm.s32 $0x108;
	s8 =	sld [smem:$0x3FB6]  }
0x2e: {  	s3 =	simm.s32 @!p0 $0x1082;
	s9 =	sld [smem:$0x3FB7]  }
0x2f: {  	lr =	sadd.s32 s0, s3;
	s0 =	sld [smem:$0x3FAE]  }
0x30: {  	s3 =	sld [smem:$0x3FB1]  }
0x31: {  	[smem:$0x3FBA] =	sst s10  }
0x32: {  	s10 =	sld [smem:$0x3FB8];
	_ =	sdelay $0x3  }
0x33: {  	p0 =	seq.s32 s10, $0x1;
	s10 =	sld [smem:$0x3FBA];
	_ =	sdelay $0x3  }
0x34: {  	[smem:$0x3FBA] =	sst s10  }
0x35: {  	s10 =	sld [smem:$0x3FB9];
	_ =	sdelay $0x3  }
0x36: {  	p1 =	seq.s32 s10, $0x1;
	s10 =	sld [smem:$0x3FBA];
	_ =	sdelay $0x3  }
0x37: {  	[smem:$0x3FBA] =	sst s10  }
0x38: {  	s10 =	sld [smem:$0x3FBB]  }
0x39: {  	_ = 	snop;
	(pc) =	sbr.ind lr, $3  }
0x3a: {  	_ = 	snop  }
0x3b: {  	_ = 	snop  }
0x3c: {  	p2 =	seq.s32 s10, $0x1;
	s10 =	sld [smem:$0x3FBA]  }
0x3d: {  	_ =	shalt  }
0x3e: {  	_ =	shalt  }
0x3f: {  	_ =	shalt  }
0x40: {  	_ =	shalt  }
0x41: {  	_ =	shalt  }
0x42: {  	_ =	shalt  }
0x43: {  	_ =	shalt  }
0x44: {  	_ =	shalt  }
0x45: {  	_ =	shalt  }
0x46: {  	_ =	shalt  }
0x47: {  	_ =	shalt  }
0x48: {  	_ =	shalt  }
0x49: {  	_ =	shalt  }
0x4a: {  	_ =	shalt  }
0x4b: {  	_ =	shalt  }
0x4c: {  	_ =	shalt  }
0x4d: {  	_ =	shalt  }
0x4e: {  	_ =	shalt  }
0x4f: {  	_ =	shalt  }
0x50: {  	_ =	shalt  }
0x51: {  	_ =	shalt  }
0x52: {  	_ =	shalt  }
0x53: {  	_ =	shalt  }
0x54: {  	_ =	shalt  }
0x55: {  	_ =	shalt  }
0x56: {  	_ =	shalt  }
0x57: {  	_ =	shalt  }
0x58: {  	_ =	shalt  }
0x59: {  	_ =	shalt  }
0x5a: {  	_ =	shalt  }
0x5b: {  	_ =	shalt  }
0x5c: {  	_ =	shalt  }
0x5d: {  	_ =	shalt  }
0x5e: {  	_ =	shalt  }
0x5f: {  	_ =	shalt  }
0x60: {  	_ =	shalt  }
0x61: {  	_ =	shalt  }
0x62: {  	_ =	shalt  }
0x63: {  	_ =	shalt  }
0x64: {  	_ =	shalt  }
0x65: {  	_ =	shalt  }
0x66: {  	_ =	shalt  }
0x67: {  	_ =	shalt  }
0x68: {  	_ =	shalt  }
0x69: {  	_ =	shalt  }
0x6a: {  	_ =	shalt  }
0x6b: {  	_ =	shalt  }
0x6c: {  	_ =	shalt  }
0x6d: {  	_ =	shalt  }
0x6e: {  	_ =	shalt  }
0x6f: {  	_ =	shalt  }
0x70: {  	_ =	shalt  }
0x71: {  	_ =	shalt  }
0x72: {  	_ =	shalt  }
0x73: {  	_ =	shalt  }
0x74: {  	_ =	shalt  }
0x75: {  	_ =	shalt  }
0x76: {  	_ =	shalt  }
0x77: {  	_ =	shalt  }
0x78: {  	_ =	shalt  }
0x79: {  	_ =	shalt  }
0x7a: {  	_ =	shalt  }
0x7b: {  	_ =	shalt  }
0x7c: {  	_ =	shalt  }
0x7d: {  	_ =	shalt  }
0x7e: {  	_ =	shalt  }
0x7f: {  	_ =	shalt  }
0x80: {  	_ =	shalt  }
0x81: {  	_ =	shalt  }
0x82: {  	_ =	shalt  }
0x83: {  	_ =	shalt  }
0x84: {  	_ =	shalt  }
0x85: {  	_ =	shalt  }
0x86: {  	_ =	shalt  }
0x87: {  	_ =	shalt  }
.Lfunc_end0:
.L_simem_size_0:
called_computation_lowered:
.L_overlay_start_0:
0x88: {  	s2 =	sld [smem:$0x3FD9]  }
0x89: {  	s3 =	sld [smem:$0x3FFE];
	_ =	sdelay $0x1  }
0x8a: {  	s1 =	srdreg.scid  }
0x8b: {  	s0 =	sand.u32 $0x1, s1  }
0x8c: {  	s14 =	sshll.u32 s0, $0xA;
	s2 =	sadd.s32 s3, s2  }
0x8d: {  	s2 =	sadd.s32 s2, s14  }
0x8e: {  	[smem:$0x3FC6] =	sst s2  }
0x8f: {  	_ = 	snop  }
0x90: {  	s2 =	sld [smem:$0x3FD0];
	_ =	sdelay $0x2  }
0x91: {  	s15 =	simm.s32 $0xA;
	s4 =	simm.s32 $0x10  }
0x92: {  	[smem:s4], [sflag:s15] =	dma.local [hbm:s2], $0x1  }
0x93: {  	_ =	swait.eq [sflag:s15], $0x1  }
0x94: {  	[sflag:s15] =	ssyncset.done $0x0  }
0x95: {  	[sflag:s15] =	ssyncadd.s32 $0xFFFFFFFF  }
0x96: {  	s16 =	sld [smem:$0x10];
	(tm) =	ssettm $0x1  }
0x97: {  	s17 =	sld [smem:$0x3FFB];
	_ =	sdelay $0x3  }
0x98: {  	_ =	strace s17  }
0x99: {  	s3 =	sld [smem:$0x3FFC];
	_ =	sdelay $0x3  }
0x9a: {  	_ =	strace s3  }
0x9b: {  	s3 =	sld [smem:$0x3FFD];
	_ =	sdelay $0x3  }
0x9c: {  	_ =	strace s3  }
0x9d: {  	_ =	strace $0x8FFFFFFF  }
0x9e: {  	s18 =	sld [smem:$0x3FDB];
	_ =	sdelay $0x1  }
0x9f: {  	s19 =	simm.s32 $_scs_section_size  }
0xa0: {  	s5 =	simm.s32 $_size__tile_overlayer_lowered;
	s6 =	simm.s32 $_tile_overlayer_lowered  }
0xa1: {  	s22 =	simm.s32 $0x1BFF;
	s21 =	sshll.u32 s6, $0x1;
	s3 =	sadd.s32 s19, s18  }
0xa2: {  	s7 =	simm.s32 $0x0;
	s20 =	sshll.u32 s5, $0x1;
	s5 =	sadd.s32 s21, s3  }
0xa3: {  	[timem:s7], [sflag:s22] =	dma.local [hbm:s5], s20  }
0xa4: {  	_ =	swait.ge [sflag:s22], s20  }
0xa5: {  	s4 =	ssub.s32 $0x0, s20;
	[sflag:s22] =	ssyncset.done $0x0  }
0xa6: {  	[sflag:s22] =	ssyncadd.s32 s4;
	_ =	sdelay $0x1  }
0xa7: {  	s23 =	simm.s32 $0x1B8B  }
0xa8: {  	_ =	swait.ge [sflag:s23], $0x1  }
0xa9: {  	[sflag:s23] =	ssyncset.done $0x0  }
0xaa: {  	s25 =	simm.s32 $0x1B8E;
	s24 =	sld [smem:$0x3FFE];
	[sflag:s23] =	ssyncadd.s32 $0xFFFFFFFF  }
0xab: {  	s26 =	simm.s32 $execute0_lowered;
	[smem:$0x3FD2] =	sst s25  }
0xac: {  	s5 =	sshll.u32 s26, $0x1;
	_ =	strace $0x80000046;
	[dreg:$0x1] =	wrdreg $0xFFFFFFFF  }
0xad: {  	s28 =	simm.s32 $_size_execute0_lowered;
	s3 =	sadd.s32 s3, s5;
	[dreg:$0x0] =	wrdreg $0x0  }
0xae: {  	s5 =	sshll.u32 s28, $0x1;
	[dreg:$0x2] =	wrdreg s3  }
0xaf: {  	[dreg:$0x3] =	wrdreg s5  }
0xb0: {  	[dreg:$0x4] =	wrdreg $0xC0  }
0xb1: {  	_ =	task [dreg:s7], $0x5FFFF  }
0xb2: {  	[dreg:$0x1] =	wrdreg $0xFFFFFFFF  }
0xb3: {  	[dreg:$0x0] =	wrdreg $0x60  }
0xb4: {  	[dreg:$0x2] =	wrdreg s16  }
0xb5: {  	[dreg:$0x3] =	wrdreg s24  }
0xb6: {  	[dreg:$0x4] =	wrdreg $0x9  }
0xb7: {  	_ =	task.clear_ibuf [dreg:s7], $0x5FFFF;
	_ =	strace $0x90000046  }
0xb8: {  	s29 =	simm.s32 $0x9;
	_ =	strace $0x80000048  }
0xb9: {  	_ =	swait.ge [sflag:s29], $0x1  }
0xba: {  	[sflag:s29] =	ssyncadd.s32 $0xFFFFFFFF  }
0xbb: {  	_ =	strace $0x90000048  }
0xbc: {  	_ =	sfence  }
0xbd: {  	s30 =	sld [smem:$0x0];
	_ =	sdelay $0x2  }
0xbe: {  	s31 =	sshll.u32 s1, $0xD;
	s1 =	sshrl.u32 s1, $0x2  }
0xbf: {  	s3 =	sand.u32 $0x4000, s31;
	s1 =	sadd.s32 s1, s30  }
0xc0: {  	s0 =	sor.u32 s3, s0;
	s1 =	sshll.u32 s1, $0x11  }
0xc1: {  	s0 =	sor.u32 s1, s0  }
0xc2: {  	s0 =	sadd.s32 $0x8F2B, s0  }
0xc3: {  	[sflag:s0] =	ssyncadd.remote.s32 $0x1  }
0xc4: {  	_ =	sfence.sel $0xFFFF  }
0xc5: {  	[dreg:$0x0] =	wrdreg $0xFFFFFFFF;
	(pc) =	sbr.abs _section_cstart, $3  }
0xc6: {  	[dreg:$0x1] =	wrdreg $0xFFFFFFFF  }
0xc7: {  	_ =	task.clear_ibuf [dreg:s7], $0x2FFFF;
	_ =	strace $0x9FFFFFFF  }
0xc8: {  	(tm) =	ssettm $0x7FFFFFFF  }
0xc9: {  	_ =	shalt  }
tec
execute0_lowered:
.L_overlay_start_1:
0x0: {  	(tag) =	ssettag $0x1  }
0x1: {  	s2 =	rddreg [dreg:$0x0]  }
0x2: {  	s0 =	rddreg [dreg:$0x1]  }
0x3: {  	s1 =	srdreg.scid;
	s4 =	stileid.u32;
	s3 =	simm.s32 $0x0  }
0x4: {  	s8 =	simm.s32 $0x2;
	s9 =	simm.s32 $0x1000;
	s10 =	simm.s32 $0x80  }
0x5: {  	s25 =	simm.s32 $0x1;
	s14 =	simm.s32 $0x2B80;
	s15 =	simm.s32 $0xC00  }
0x6: {  	s16 =	simm.s32 $0x2C00;
	s17 =	simm.s32 $0xC80;
	s18 =	simm.s32 $0x2C80  }
0x7: {  	s19 =	simm.s32 $0xD00;
	s20 =	simm.s32 $0x2D00;
	s21 =	simm.s32 $0xD80  }
0x8: {  	s22 =	simm.s32 $0x2D80;
	s23 =	simm.s32 $0xE00;
	s24 =	simm.s32 $0x2E00  }
0x9: {  	s28 =	simm.s32 $0x2E80;
	s29 =	simm.s32 $0xF00;
	s30 =	simm.s32 $0x2F00  }
0xa: {  	s31 =	simm.s32 $0xF80;
	s1 =	sand.u32 $0x1, s1;
	s4 =	sshll.u32 s4, $0xA  }
0xb: {  	[smem:$0x7FF] =	sst s3;
	s5 =	sshll.u32 s1, $0x9;
	s1 =	ssub.s32 $0x2, s1  }
0xc: {  	_ =	strace $0x80000047;
	s4 =	sor.u32 s5, s4;
	s26 =	sshrl.u32 s1, $0x1  }
0xd: {  	s0 =	sadd.s32 s4, s0;
	s1 =	ssub.s32 s1, s26;
	s26 =	simm.s32 $0xE80  }
0xe: {  	s4 =	sadd.s32 $0x4A00, s0;
	s5 =	sadd.s32 $0xA00, s0;
	s6 =	sadd.s32 $0x8A00, s0  }
0xf: {  	s7 =	smax.u32 s1, $0x1;
	s0 =	simm.s32 $0x2F80;
	s1 =	simm.s32 $0x0  }
.LBB2_1:
0x10: {  	[tilespmem:s3], [sflag:$0x2] =	stream.linear.gather [hbm4b:s4+s3], $0x1000, $0x38;
	[tilespmem:$0x3000] =	vst v63  }
0x11: {  	_ =	swait.ge [sflag:s8], $0x1000  }
0x12: {  	[sflag:s8] =	ssyncset.done $0x0  }
0x13: {  	[sflag:s8] =	ssyncadd.s32 $0xFFFFF000  }
0x14: {  	[tilespmem:s9], [sflag:$0x2] =	stream.linear.gather [hbm4b:s5+s3], $0x1000, $0x38;
	[tilespmem:$0x3000] =	vst v63  }
0x15: {  	_ =	swait.ge [sflag:s8], $0x1000  }
0x16: {  	[sflag:s8] =	ssyncset.done $0x0  }
0x17: {  	s11 =	simm.s32 $0x2000;
	[sflag:s8] =	ssyncadd.s32 $0xFFFFF000  }
0x18: {  	[tilespmem:s11], [sflag:$0x1] =	stream.indirect.gather [hbm4b:s2+s10], $0x1, s3, s10, $0xb8;
	[tilespmem:$0x3000] =	vst v63  }
0x19: {  	s12 =	simm.s32 $0x2080  }
0x1a: {  	[tilespmem:s12], [sflag:$0x1] =	stream.indirect.gather [hbm4b:s2+s10], $0x1, s10, s10, $0xb8;
	[tilespmem:$0x3000] =	vst v63  }
0x1b: {  	s13 =	simm.s32 $0x100;
	s12 =	simm.s32 $0x2100  }
0x1c: {  	[tilespmem:s12], [sflag:$0x1] =	stream.indirect.gather [hbm4b:s2+s10], $0x1, s13, s10, $0xb8;
	[tilespmem:$0x3000] =	vst v63  }
0x1d: {  	s12 =	simm.s32 $0x180;
	s13 =	simm.s32 $0x2180  }
0x1e: {  	[tilespmem:s13], [sflag:$0x1] =	stream.indirect.gather [hbm4b:s2+s10], $0x1, s12, s10, $0xb8;
	[tilespmem:$0x3000] =	vst v63  }
0x1f: {  	s12 =	simm.s32 $0x200;
	s13 =	simm.s32 $0x2200  }
0x20: {  	[tilespmem:s13], [sflag:$0x1] =	stream.indirect.gather [hbm4b:s2+s10], $0x1, s12, s10, $0xb8;
	[tilespmem:$0x3000] =	vst v63  }
0x21: {  	s12 =	simm.s32 $0x280;
	s13 =	simm.s32 $0x2280  }
0x22: {  	[tilespmem:s13], [sflag:$0x1] =	stream.indirect.gather [hbm4b:s2+s10], $0x1, s12, s10, $0xb8;
	[tilespmem:$0x3000] =	vst v63  }
0x23: {  	s12 =	simm.s32 $0x300;
	s13 =	simm.s32 $0x2300  }
0x24: {  	[tilespmem:s13], [sflag:$0x1] =	stream.indirect.gather [hbm4b:s2+s10], $0x1, s12, s10, $0xb8;
	[tilespmem:$0x3000] =	vst v63  }
0x25: {  	s12 =	simm.s32 $0x380;
	s13 =	simm.s32 $0x2380  }
0x26: {  	[tilespmem:s13], [sflag:$0x1] =	stream.indirect.gather [hbm4b:s2+s10], $0x1, s12, s10, $0xb8;
	[tilespmem:$0x3000] =	vst v63  }
0x27: {  	_ =	swait.ge [sflag:s25], $0x80  }
0x28: {  	[sflag:s25] =	ssyncset.done $0x0  }
0x29: {  	[sflag:s25] =	ssyncadd.s32 $0xFFFFFF80  }
0x2a: {  	_ =	swait.ge [sflag:s25], $0x80  }
0x2b: {  	[sflag:s25] =	ssyncset.done $0x0  }
0x2c: {  	[sflag:s25] =	ssyncadd.s32 $0xFFFFFF80  }
0x2d: {  	_ =	swait.ge [sflag:s25], $0x80  }
0x2e: {  	[sflag:s25] =	ssyncset.done $0x0  }
0x2f: {  	[sflag:s25] =	ssyncadd.s32 $0xFFFFFF80  }
0x30: {  	_ =	swait.ge [sflag:s25], $0x80  }
0x31: {  	[sflag:s25] =	ssyncset.done $0x0  }
0x32: {  	[sflag:s25] =	ssyncadd.s32 $0xFFFFFF80  }
0x33: {  	_ =	swait.ge [sflag:s25], $0x80  }
0x34: {  	[sflag:s25] =	ssyncset.done $0x0  }
0x35: {  	[sflag:s25] =	ssyncadd.s32 $0xFFFFFF80  }
0x36: {  	_ =	swait.ge [sflag:s25], $0x80  }
0x37: {  	[sflag:s25] =	ssyncset.done $0x0  }
0x38: {  	[sflag:s25] =	ssyncadd.s32 $0xFFFFFF80  }
0x39: {  	_ =	swait.ge [sflag:s25], $0x80  }
0x3a: {  	[sflag:s25] =	ssyncset.done $0x0  }
0x3b: {  	[sflag:s25] =	ssyncadd.s32 $0xFFFFFF80  }
0x3c: {  	_ =	swait.ge [sflag:s25], $0x80  }
0x3d: {  	[sflag:s25] =	ssyncset.done $0x0  }
0x3e: {  	s12 =	simm.s32 $0x400;
	s13 =	simm.s32 $0x2400;
	[sflag:s25] =	ssyncadd.s32 $0xFFFFFF80  }
0x3f: {  	[tilespmem:s13], [sflag:$0x1] =	stream.indirect.gather [hbm4b:s2+s10], $0x1, s12, s10, $0xb8;
	[tilespmem:$0x3000] =	vst v63  }
0x40: {  	s12 =	simm.s32 $0x480;
	s13 =	simm.s32 $0x2480  }
0x41: {  	[tilespmem:s13], [sflag:$0x1] =	stream.indirect.gather [hbm4b:s2+s10], $0x1, s12, s10, $0xb8;
	[tilespmem:$0x3000] =	vst v63  }
0x42: {  	s12 =	simm.s32 $0x500;
	s13 =	simm.s32 $0x2500  }
0x43: {  	[tilespmem:s13], [sflag:$0x1] =	stream.indirect.gather [hbm4b:s2+s10], $0x1, s12, s10, $0xb8;
	[tilespmem:$0x3000] =	vst v63  }
0x44: {  	s12 =	simm.s32 $0x580;
	s13 =	simm.s32 $0x2580  }
0x45: {  	[tilespmem:s13], [sflag:$0x1] =	stream.indirect.gather [hbm4b:s2+s10], $0x1, s12, s10, $0xb8;
	[tilespmem:$0x3000] =	vst v63  }
0x46: {  	s12 =	simm.s32 $0x600;
	s13 =	simm.s32 $0x2600  }
0x47: {  	[tilespmem:s13], [sflag:$0x1] =	stream.indirect.gather [hbm4b:s2+s10], $0x1, s12, s10, $0xb8;
	[tilespmem:$0x3000] =	vst v63  }
0x48: {  	s12 =	simm.s32 $0x680;
	s13 =	simm.s32 $0x2680  }
0x49: {  	[tilespmem:s13], [sflag:$0x1] =	stream.indirect.gather [hbm4b:s2+s10], $0x1, s12, s10, $0xb8;
	[tilespmem:$0x3000] =	vst v63  }
0x4a: {  	s12 =	simm.s32 $0x700;
	s13 =	simm.s32 $0x2700  }
0x4b: {  	[tilespmem:s13], [sflag:$0x1] =	stream.indirect.gather [hbm4b:s2+s10], $0x1, s12, s10, $0xb8;
	[tilespmem:$0x3000] =	vst v63  }
0x4c: {  	s12 =	simm.s32 $0x780;
	s13 =	simm.s32 $0x2780  }
0x4d: {  	[tilespmem:s13], [sflag:$0x1] =	stream.indirect.gather [hbm4b:s2+s10], $0x1, s12, s10, $0xb8;
	[tilespmem:$0x3000] =	vst v63  }
0x4e: {  	_ =	swait.ge [sflag:s25], $0x80  }
0x4f: {  	[sflag:s25] =	ssyncset.done $0x0  }
0x50: {  	[sflag:s25] =	ssyncadd.s32 $0xFFFFFF80  }
0x51: {  	_ =	swait.ge [sflag:s25], $0x80  }
0x52: {  	[sflag:s25] =	ssyncset.done $0x0  }
0x53: {  	[sflag:s25] =	ssyncadd.s32 $0xFFFFFF80  }
0x54: {  	_ =	swait.ge [sflag:s25], $0x80  }
0x55: {  	[sflag:s25] =	ssyncset.done $0x0  }
0x56: {  	[sflag:s25] =	ssyncadd.s32 $0xFFFFFF80  }
0x57: {  	_ =	swait.ge [sflag:s25], $0x80  }
0x58: {  	[sflag:s25] =	ssyncset.done $0x0  }
0x59: {  	[sflag:s25] =	ssyncadd.s32 $0xFFFFFF80  }
0x5a: {  	_ =	swait.ge [sflag:s25], $0x80  }
0x5b: {  	[sflag:s25] =	ssyncset.done $0x0  }
0x5c: {  	[sflag:s25] =	ssyncadd.s32 $0xFFFFFF80  }
0x5d: {  	_ =	swait.ge [sflag:s25], $0x80  }
0x5e: {  	[sflag:s25] =	ssyncset.done $0x0  }
0x5f: {  	[sflag:s25] =	ssyncadd.s32 $0xFFFFFF80  }
0x60: {  	_ =	swait.ge [sflag:s25], $0x80  }
0x61: {  	[sflag:s25] =	ssyncset.done $0x0  }
0x62: {  	[sflag:s25] =	ssyncadd.s32 $0xFFFFFF80  }
0x63: {  	_ =	swait.ge [sflag:s25], $0x80  }
0x64: {  	[sflag:s25] =	ssyncset.done $0x0  }
0x65: {  	s12 =	simm.s32 $0x800;
	s13 =	simm.s32 $0x2800;
	[sflag:s25] =	ssyncadd.s32 $0xFFFFFF80  }
0x66: {  	[tilespmem:s13], [sflag:$0x1] =	stream.indirect.gather [hbm4b:s2+s10], $0x1, s12, s10, $0xb8;
	[tilespmem:$0x3000] =	vst v63  }
0x67: {  	s12 =	simm.s32 $0x880;
	s13 =	simm.s32 $0x2880  }
0x68: {  	[tilespmem:s13], [sflag:$0x1] =	stream.indirect.gather [hbm4b:s2+s10], $0x1, s12, s10, $0xb8;
	[tilespmem:$0x3000] =	vst v63  }
0x69: {  	s12 =	simm.s32 $0x900;
	s13 =	simm.s32 $0x2900  }
0x6a: {  	[tilespmem:s13], [sflag:$0x1] =	stream.indirect.gather [hbm4b:s2+s10], $0x1, s12, s10, $0xb8;
	[tilespmem:$0x3000] =	vst v63  }
0x6b: {  	s12 =	simm.s32 $0x980;
	s13 =	simm.s32 $0x2980  }
0x6c: {  	[tilespmem:s13], [sflag:$0x1] =	stream.indirect.gather [hbm4b:s2+s10], $0x1, s12, s10, $0xb8;
	[tilespmem:$0x3000] =	vst v63  }
0x6d: {  	s12 =	simm.s32 $0xA00;
	s13 =	simm.s32 $0x2A00  }
0x6e: {  	[tilespmem:s13], [sflag:$0x1] =	stream.indirect.gather [hbm4b:s2+s10], $0x1, s12, s10, $0xb8;
	[tilespmem:$0x3000] =	vst v63  }
0x6f: {  	s12 =	simm.s32 $0xA80;
	s13 =	simm.s32 $0x2A80  }
0x70: {  	[tilespmem:s13], [sflag:$0x1] =	stream.indirect.gather [hbm4b:s2+s10], $0x1, s12, s10, $0xb8;
	[tilespmem:$0x3000] =	vst v63  }
0x71: {  	s12 =	simm.s32 $0xB00;
	s13 =	simm.s32 $0x2B00  }
0x72: {  	[tilespmem:s13], [sflag:$0x1] =	stream.indirect.gather [hbm4b:s2+s10], $0x1, s12, s10, $0xb8;
	[tilespmem:$0x3000] =	vst v63  }
0x73: {  	s13 =	simm.s32 $0xB80  }
0x74: {  	[tilespmem:s14], [sflag:$0x1] =	stream.indirect.gather [hbm4b:s2+s10], $0x1, s13, s10, $0xb8;
	[tilespmem:$0x3000] =	vst v63  }
0x75: {  	_ =	swait.ge [sflag:s25], $0x80  }
0x76: {  	[sflag:s25] =	ssyncset.done $0x0  }
0x77: {  	[sflag:s25] =	ssyncadd.s32 $0xFFFFFF80  }
0x78: {  	_ =	swait.ge [sflag:s25], $0x80  }
0x79: {  	[sflag:s25] =	ssyncset.done $0x0  }
0x7a: {  	[sflag:s25] =	ssyncadd.s32 $0xFFFFFF80  }
0x7b: {  	_ =	swait.ge [sflag:s25], $0x80  }
0x7c: {  	[sflag:s25] =	ssyncset.done $0x0  }
0x7d: {  	[sflag:s25] =	ssyncadd.s32 $0xFFFFFF80  }
0x7e: {  	_ =	swait.ge [sflag:s25], $0x80  }
0x7f: {  	[sflag:s25] =	ssyncset.done $0x0  }
0x80: {  	[sflag:s25] =	ssyncadd.s32 $0xFFFFFF80  }
0x81: {  	_ =	swait.ge [sflag:s25], $0x80  }
0x82: {  	[sflag:s25] =	ssyncset.done $0x0  }
0x83: {  	[sflag:s25] =	ssyncadd.s32 $0xFFFFFF80  }
0x84: {  	_ =	swait.ge [sflag:s25], $0x80  }
0x85: {  	[sflag:s25] =	ssyncset.done $0x0  }
0x86: {  	[sflag:s25] =	ssyncadd.s32 $0xFFFFFF80  }
0x87: {  	_ =	swait.ge [sflag:s25], $0x80  }
0x88: {  	[sflag:s25] =	ssyncset.done $0x0  }
0x89: {  	[sflag:s25] =	ssyncadd.s32 $0xFFFFFF80  }
0x8a: {  	_ =	swait.ge [sflag:s25], $0x80  }
0x8b: {  	[sflag:s25] =	ssyncset.done $0x0  }
0x8c: {  	[sflag:s25] =	ssyncadd.s32 $0xFFFFFF80  }
0x8d: {  	[tilespmem:s16], [sflag:$0x1] =	stream.indirect.gather [hbm4b:s2+s10], $0x1, s15, s10, $0xb8;
	[tilespmem:$0x3000] =	vst v63  }
0x8e: {  	_ = 	snop  }
0x8f: {  	[tilespmem:s18], [sflag:$0x1] =	stream.indirect.gather [hbm4b:s2+s10], $0x1, s17, s10, $0xb8;
	[tilespmem:$0x3000] =	vst v63  }
0x90: {  	_ = 	snop  }
0x91: {  	[tilespmem:s20], [sflag:$0x1] =	stream.indirect.gather [hbm4b:s2+s10], $0x1, s19, s10, $0xb8;
	[tilespmem:$0x3000] =	vst v63  }
0x92: {  	_ = 	snop  }
0x93: {  	[tilespmem:s22], [sflag:$0x1] =	stream.indirect.gather [hbm4b:s2+s10], $0x1, s21, s10, $0xb8;
	[tilespmem:$0x3000] =	vst v63  }
0x94: {  	_ = 	snop  }
0x95: {  	[tilespmem:s24], [sflag:$0x1] =	stream.indirect.gather [hbm4b:s2+s10], $0x1, s23, s10, $0xb8;
	[tilespmem:$0x3000] =	vst v63  }
0x96: {  	_ = 	snop  }
0x97: {  	[tilespmem:s28], [sflag:$0x1] =	stream.indirect.gather [hbm4b:s2+s10], $0x1, s26, s10, $0xb8;
	[tilespmem:$0x3000] =	vst v63  }
0x98: {  	_ = 	snop  }
0x99: {  	[tilespmem:s30], [sflag:$0x1] =	stream.indirect.gather [hbm4b:s2+s10], $0x1, s29, s10, $0xb8;
	[tilespmem:$0x3000] =	vst v63  }
0x9a: {  	_ = 	snop  }
0x9b: {  	[tilespmem:s0], [sflag:$0x1] =	stream.indirect.gather [hbm4b:s2+s10], $0x1, s31, s10, $0xb8;
	[tilespmem:$0x3000] =	vst v63  }
0x9c: {  	_ =	swait.ge [sflag:s25], $0x80  }
0x9d: {  	[sflag:s25] =	ssyncset.done $0x0  }
0x9e: {  	[sflag:s25] =	ssyncadd.s32 $0xFFFFFF80  }
0x9f: {  	_ =	swait.ge [sflag:s25], $0x80  }
0xa0: {  	[sflag:s25] =	ssyncset.done $0x0  }
0xa1: {  	[sflag:s25] =	ssyncadd.s32 $0xFFFFFF80  }
0xa2: {  	_ =	swait.ge [sflag:s25], $0x80  }
0xa3: {  	[sflag:s25] =	ssyncset.done $0x0  }
0xa4: {  	[sflag:s25] =	ssyncadd.s32 $0xFFFFFF80  }
0xa5: {  	_ =	swait.ge [sflag:s25], $0x80  }
0xa6: {  	[sflag:s25] =	ssyncset.done $0x0  }
0xa7: {  	[sflag:s25] =	ssyncadd.s32 $0xFFFFFF80  }
0xa8: {  	_ =	swait.ge [sflag:s25], $0x80  }
0xa9: {  	[sflag:s25] =	ssyncset.done $0x0  }
0xaa: {  	[sflag:s25] =	ssyncadd.s32 $0xFFFFFF80  }
0xab: {  	_ =	swait.ge [sflag:s25], $0x80  }
0xac: {  	[sflag:s25] =	ssyncset.done $0x0  }
0xad: {  	[sflag:s25] =	ssyncadd.s32 $0xFFFFFF80  }
0xae: {  	_ =	swait.ge [sflag:s25], $0x80  }
0xaf: {  	[sflag:s25] =	ssyncset.done $0x0  }
0xb0: {  	[sflag:s25] =	ssyncadd.s32 $0xFFFFFF80  }
0xb1: {  	_ =	swait.ge [sflag:s25], $0x80  }
0xb2: {  	[sflag:s25] =	ssyncset.done $0x0  }
0xb3: {  	s11 =	simm.s32 $0x0;
	[sflag:s25] =	ssyncadd.s32 $0xFFFFFF80  }
0xb4: {  	v7 =	vld [tilespmem:s11+$0x2000]  }
0xb5: {  	v11 =	vld [tilespmem:s11+$0x2010]  }
0xb6: {  	v5 =	vld [tilespmem:s11+$0x2020]  }
0xb7: {  	v4 =	vld [tilespmem:s11+$0x2030]  }
0xb8: {  	v3 =	vld [tilespmem:s11+$0x2040]  }
0xb9: {  	v2 =	vld [tilespmem:s11+$0x2050]  }
0xba: {  	v1 =	vld [tilespmem:s11+$0x2060]  }
0xbb: {  	v0 =	vld [tilespmem:s11+$0x2070]  }
0xbc: {  	v12 =	vld [tilespmem:s11+$0x1000]  }
0xbd: {  	v13 =	vld [tilespmem:s11+$0x1010]  }
0xbe: {  	v10 =	vld [tilespmem:s11+$0x1020]  }
0xbf: {  	v9 =	vld [tilespmem:s11+$0x1030]  }
0xc0: {  	v8 =	vld [tilespmem:s11+$0x1040]  }
0xc1: {  	v6 =	vld [tilespmem:s11+$0x1050];
	v12 =	vadd.f32 v7, v12  }
0xc2: {  	s12 =	simm.s32 $0x200;
	v11 =	vadd.f32 v11, v13;
	v7 =	vld [tilespmem:s11+$0x1060]  }
.LBB2_2:
0xc3: {  	s13 =	sshra.s32 s12, $0x2;
	p0 =	sne.s32 s12, $0x3E00;
	[tilespmem:s11+$0x1000] =	vst v12;
	v5 =	vadd.f32 v5, v10;
	v10 =	vld [tilespmem:s11+$0x1070]  }
0xc4: {  	v12 =	vld [tilespmem:s13+$0x2000];
	[tilespmem:s11+$0x1010] =	vst v11;
	v4 =	vadd.f32 v4, v9  }
0xc5: {  	v11 =	vld [tilespmem:s13+$0x2010];
	[tilespmem:s11+$0x1020] =	vst v5;
	v3 =	vadd.f32 v3, v8  }
0xc6: {  	v5 =	vld [tilespmem:s13+$0x2020];
	[tilespmem:s11+$0x1030] =	vst v4;
	v2 =	vadd.f32 v2, v6  }
0xc7: {  	v4 =	vld [tilespmem:s13+$0x2030];
	[tilespmem:s11+$0x1040] =	vst v3;
	v1 =	vadd.f32 v1, v7  }
0xc8: {  	v3 =	vld [tilespmem:s13+$0x2040];
	[tilespmem:s11+$0x1050] =	vst v2;
	v0 =	vadd.f32 v0, v10  }
0xc9: {  	v2 =	vld [tilespmem:s13+$0x2050];
	[tilespmem:s11+$0x1060] =	vst v1  }
0xca: {  	v1 =	vld [tilespmem:s13+$0x2060];
	[tilespmem:s11+$0x1070] =	vst v0;
	s11 =	smov.u32 s13  }
0xcb: {  	v0 =	vld [tilespmem:s11+$0x2070]  }
0xcc: {  	v6 =	vld [tilespmem:s11+$0x1000]  }
0xcd: {  	v7 =	vld [tilespmem:s11+$0x1010]  }
.Ltmp0:
0xce: {  	v10 =	vld [tilespmem:s11+$0x1020];
	(pc) =	sbr.rel @p0 .LBB2_2-.Ltmp0, $4  }
0xcf: {  	v9 =	vld [tilespmem:s11+$0x1030]  }
0xd0: {  	v8 =	vld [tilespmem:s11+$0x1040]  }
0xd1: {  	v12 =	vadd.f32 v12, v6;
	v6 =	vld [tilespmem:s11+$0x1050]  }
0xd2: {  	s12 =	sadd.s32 $0x200, s12;
	v11 =	vadd.f32 v11, v7;
	v7 =	vld [tilespmem:s11+$0x1060]  }
0xd3: {  	[tilespmem:s11+$0x1000] =	vst v12;
	v5 =	vadd.f32 v5, v10;
	v63 =	vld [tilespmem:s11+$0x1070]  }
0xd4: {  	[tilespmem:s11+$0x1010] =	vst v11;
	v4 =	vadd.f32 v4, v9  }
0xd5: {  	[tilespmem:s11+$0x1020] =	vst v5;
	v3 =	vadd.f32 v3, v8  }
0xd6: {  	[tilespmem:s11+$0x1030] =	vst v4;
	v2 =	vadd.f32 v2, v6  }
0xd7: {  	[tilespmem:s11+$0x1040] =	vst v3;
	v1 =	vadd.f32 v1, v7  }
0xd8: {  	s1 =	sadd.s32 $0x1, s1;
	[tilespmem:s11+$0x1050] =	vst v2;
	v0 =	vadd.f32 v0, v63  }
0xd9: {  	p0 =	sne.s32 s1, s7;
	[tilespmem:s11+$0x1060] =	vst v1  }
.Ltmp1:
0xda: {  	[tilespmem:s11+$0x1070] =	vst v0;
	(pc) =	sbr.rel @p0 .LBB2_1-.Ltmp1, $4  }
0xdb: {  	[hbm4b:s6+s3] =	stream.linear.scatter [tilespmem:s9], [sflag:$0x2], $0x1000, $0x38;
	[tilespmem:$0x3000] =	vst v63  }
0xdc: {  	_ =	swait.ge [sflag:s8], $0x1000  }
0xdd: {  	[sflag:s8] =	ssyncset.done $0x0  }
0xde: {  	[sflag:s8] =	ssyncadd.s32 $0xFFFFF000  }
0xdf: {  	_ =	sfence.sel $0x180000  }
0xe0: {  	[bflag:$0x0] =	sbarrier.arrive $0xFFFF  }
0xe1: {  	_ =	strace $0x90000047  }
0xe2: {  	s0 =	stileid.u32;
	[bflag:$0x2] =	sbarrier.arrive $0xFFFF  }
0xe3: {  	p0 =	sne.s32 s0, $0x0;
	s0 =	rddreg [dreg:$0x2]  }
0xe4: {  	s0 =	sadd.s32 @!p0 $0x100000, s0  }
0xe5: {  	[sflag:s0] =	ssyncadd.tile.s32 @!p0 $0x1;
	_ =	shalt  }
.Lfunc_end2:
_tile_overlayer_lowered:
.L_overlay_start_2:
0xe6: {  	(tag) =	ssettag $0x2  }
0xe7: {  	s0 =	rddreg [dreg:$0x0];
	s2 =	stileid.u32  }
0xe8: {  	s1 =	rddreg [dreg:$0x1];
	p0 =	sne.s32 s2, $0x0  }
0xe9: {  	s3 =	rddreg [dreg:$0x2];
	[bflag:$0x3] =	sbarrier.arrive $0xFFFF;
	s2 =	simm.s32 @!p0 $0x1C02  }
0xea: {  	[timem:s3], [sflag:s2] =	dma.local @!p0 [hbm:s0], s1  }
0xeb: {  	s0 =	simm.s32 @!p0 $0x2  }
0xec: {  	_ =	swait.ge @!p0 [sflag:s0], s1  }
0xed: {  	s1 =	ssub.s32 @!p0 $0x0, s1;
	[sflag:s0] =	ssyncset.done @!p0 $0x0  }
0xee: {  	[sflag:s0] =	ssyncadd.s32 @!p0 s1  }
0xef: {  	[bflag:$0x3] =	sbarrier.arrive $0xFFFF  }
0xf0: {  	_ =	shalt  }

</sc_bundles>
